<compile_context>
chip_gen: v7x
topology: tpu7x:2x2x1
jax: 0.10.2.dev20260603
libtpu: 0.0.44.dev20260713+nightly
codegen_flags: <defaults>
</compile_context>

<pallas_src>
import functools

import jax
import jax.numpy as jnp
from jax import lax
from jax.experimental import pallas as pl
from jax.experimental.pallas import tpu as pltpu
from jax.experimental.pallas import tpu_sc as plsc

B, C, K = 4, 96, 1024
H = W = 384
NC, NS, L = 2, 16, 16
NW = NC * NS
CB = C // NW
BH = 32
NBLK = H // BH
TOT = B * NBLK
NBUF = 2
GRP = W // L


def _unpool_sc(pooled_flat, spx):
    mesh = plsc.VectorSubcoreMesh(core_axis_name="c", subcore_axis_name="s")

    @functools.partial(
        pl.kernel,
        mesh=mesh,
        out_type=jax.ShapeDtypeStruct((B, C, H, W), jnp.float32),
        compiler_params=pltpu.CompilerParams(needs_layout_passes=False),
        scratch_types=[
            pltpu.VMEM((CB * K,), jnp.float32),
            pltpu.VMEM((NBUF, BH, W), jnp.int32),
            pltpu.VMEM((NBUF, CB, BH, W), jnp.float32),
            pltpu.SemaphoreType.DMA((NBUF,)),
            pltpu.SemaphoreType.DMA((NBUF,)),
        ],
    )
    def unpool(pooled_hbm, spx_hbm, out_hbm, table_v, idx_v, out_v, isem, osem):
        wid = lax.axis_index("s") * NC + lax.axis_index("c")
        c0 = wid * CB

        def start_idx(b, t, p):
            pltpu.make_async_copy(
                spx_hbm.at[b, pl.ds(t * BH, BH), :],
                idx_v.at[p],
                isem.at[p],
            ).start()

        def wait_idx(p):
            pltpu.make_async_copy(
                spx_hbm.at[0, pl.ds(0, BH), :],
                idx_v.at[p],
                isem.at[p],
            ).wait()

        def start_out(b, t, p):
            pltpu.make_async_copy(
                out_v.at[p],
                out_hbm.at[b, pl.ds(c0, CB), pl.ds(t * BH, BH), :],
                osem.at[p],
            ).start()

        def wait_out(p):
            pltpu.make_async_copy(
                out_v.at[p],
                out_hbm.at[0, pl.ds(0, CB), pl.ds(0, BH), :],
                osem.at[p],
            ).wait()

        start_idx(0, 0, 0)

        def step(i, carry):
            b, t, p = carry

            @pl.when(t == 0)
            def _():
                pltpu.sync_copy(
                    pooled_hbm.at[b, pl.ds(c0 * K, CB * K)], table_v
                )

            last_t = t == NBLK - 1
            nt = jnp.where(last_t, 0, t + 1)
            nb = jnp.where(last_t, b + 1, b)
            np_ = 1 - p

            @pl.when(i + 1 < TOT)
            def _():
                start_idx(nb, nt, np_)

            wait_idx(p)

            @pl.when(i >= NBUF)
            def _():
                wait_out(p)

            @plsc.parallel_loop(0, BH, unroll=1)
            def row_body(r):
                for g in range(GRP):
                    pix = idx_v[p, r, pl.ds(g * L, L)]
                    vals = [
                        plsc.load_gather(table_v, [pix + c * K])
                        for c in range(CB)
                    ]
                    for c in range(CB):
                        out_v[p, c, r, pl.ds(g * L, L)] = vals[c]

            start_out(b, t, p)
            return (nb, nt, np_)

        zero = jnp.int32(0)
        lax.fori_loop(0, TOT, step, (zero, zero, zero), unroll=False)
        for i in range(NBUF):
            wait_out((TOT - NBUF + i) % NBUF)

    return unpool(pooled_flat, spx)


def kernel(pooled, spx):
    pooled_flat = pooled.reshape(B, C * K)
    return _unpool_sc(pooled_flat, spx)

# --- scband reference (transcript-rebuilt; emitter-appended) ---
"""Pipeline reference for scband-sup-pix-unpool-17179869892 (READ-ONLY COPY).

The authoritative reference and input builder live on the scoring server;
editing this copy changes nothing except your own understanding.
"""

import jax, jax.numpy as jnp
import numpy as np


def setup_inputs(seed: int = 0) -> dict:
    key = jax.random.key(seed)
    k1, k2 = jax.random.split(key)
    pooled = jax.random.normal(k1, (4, 96, 1024), dtype=jnp.float32)
    spx = jax.random.randint(k2, (4, 384, 384), 0, 1024, dtype=jnp.int32)
    return {"pooled": pooled, "spx": spx}


def reference(pooled, spx):
    # SupPixUnpool: out[b, c, h, w] = pooled[b, c, spx[b, h, w]]
    # pooled: [B, C, K], spx: [B, H, W] -> out: [B, C, H, W]
    def unpool_one(p, s):
        # p: [C, K], s: [H, W] -> [C, H, W]
        return jnp.take(p, s, axis=1)
    out = jax.vmap(unpool_one)(pooled, spx)
    return out

if __name__ == "__main__":
    import jax
    _d = setup_inputs()
    print(jax.jit(kernel)(*tuple(_d.values())))

</pallas_src>

<mosaic_0001>
#map = affine_map<(d0, d1) -> (0, 0)>
#map1 = affine_map<(d0, d1) -> (0, 0, 0)>
#map2 = affine_map<(d0, d1) -> (0, 0, 0, 0)>
module attributes {stable_mosaic.version = 14 : i64} {
  func.func @unpool(%arg0: i32, %arg1: i32, %arg2: memref<4x98304xf32, #tpu.memory_space<hbm>>, %arg3: memref<4x384x384xi32, #tpu.memory_space<hbm>>, %arg4: memref<4x96x384x384xf32, #tpu.memory_space<hbm>>, %arg5: memref<3072xf32, #tpu.memory_space<vmem>>, %arg6: memref<2x32x384xi32, #tpu.memory_space<vmem>>, %arg7: memref<2x3x32x384xf32, #tpu.memory_space<vmem>>, %arg8: memref<2x!tpu.dma_semaphore, #tpu.memory_space<semaphore_mem>>, %arg9: memref<2x!tpu.dma_semaphore, #tpu.memory_space<semaphore_mem>>) attributes {dimension_semantics = [#tpu.dimension_semantics<core_parallel>, #tpu.dimension_semantics<subcore_parallel>], iteration_bounds = array<i64: 2, 16>, scalar_prefetch = 0 : i64, scratch_operands = 5 : i64, tpu.core_type = #tpu.core_type<sc_vector_subcore>, window_params = [{transform_indices = #map}, {transform_indices = #map1}, {transform_indices = #map2}]} {
    %mul3A = arith.constant 2 : i32
    %mul3A_0 = arith.muli %arg1, %mul3A : i32
    %add3A = arith.addi %mul3A_0, %arg0 : i32
    %mul3A_1 = arith.constant 3 : i32
    %mul3A_2 = arith.muli %add3A, %mul3A_1 : i32
    %dma_start3A = arith.constant 0 : i32
    %dma_start3A_3 = arith.constant 0 : i32
    %dma_start3A_4 = arith.constant 0 : i32
    %dma_start3A_5 = arith.constant 0 : i32
    %dma_start3A_6 = arith.constant 0 : i32
    %dma_start3A_7 = tpu.memref_slice %arg6[%dma_start3A_3, %dma_start3A_5, %dma_start3A_6] : memref<2x32x384xi32, #tpu.memory_space<vmem>> -> memref<1x32x384xi32, #tpu.memory_space<vmem>>
    %dma_start3A_8 = tpu.memref_squeeze %dma_start3A_7 : memref<1x32x384xi32, #tpu.memory_space<vmem>> -> memref<32x384xi32, #tpu.memory_space<vmem>>
    %dma_start3A_9 = arith.constant 0 : i32
    %dma_start3A_10 = arith.constant 0 : i32
    %dma_start3A_11 = tpu.memref_slice %arg3[%dma_start3A, %dma_start3A_9, %dma_start3A_10] : memref<4x384x384xi32, #tpu.memory_space<hbm>> -> memref<1x32x384xi32, #tpu.memory_space<hbm>>
    %dma_start3A_12 = tpu.memref_squeeze %dma_start3A_11 : memref<1x32x384xi32, #tpu.memory_space<hbm>> -> memref<32x384xi32, #tpu.memory_space<hbm>>
    %dma_start3A_13 = tpu.memref_slice %arg8[%dma_start3A_4] : memref<2x!tpu.dma_semaphore, #tpu.memory_space<semaphore_mem>> -> memref<1x!tpu.dma_semaphore, #tpu.memory_space<semaphore_mem>>
    %dma_start3A_14 = tpu.memref_squeeze %dma_start3A_13 : memref<1x!tpu.dma_semaphore, #tpu.memory_space<semaphore_mem>> -> memref<!tpu.dma_semaphore, #tpu.memory_space<semaphore_mem>>
    %dma_start3A_15 = arith.constant 0 : i32
    %dma_start3A_16 = arith.constant 0 : i32
    %dma_start3A_17 = tpu.memref_slice %arg6[%dma_start3A_3, %dma_start3A_15, %dma_start3A_16] : memref<2x32x384xi32, #tpu.memory_space<vmem>> -> memref<1x32x384xi32, #tpu.memory_space<vmem>>
    %dma_start3A_18 = tpu.memref_squeeze %dma_start3A_17 : memref<1x32x384xi32, #tpu.memory_space<vmem>> -> memref<32x384xi32, #tpu.memory_space<vmem>>
    %dma_start3A_19 = arith.constant 0 : i32
    %dma_start3A_20 = arith.constant 0 : i32
    %dma_start3A_21 = tpu.memref_slice %arg3[%dma_start3A, %dma_start3A_19, %dma_start3A_20] : memref<4x384x384xi32, #tpu.memory_space<hbm>> -> memref<1x32x384xi32, #tpu.memory_space<hbm>>
    %dma_start3A_22 = tpu.memref_squeeze %dma_start3A_21 : memref<1x32x384xi32, #tpu.memory_space<hbm>> -> memref<32x384xi32, #tpu.memory_space<hbm>>
    tpu.enqueue_dma source(%dma_start3A_22 : memref<32x384xi32, #tpu.memory_space<hbm>>) target(%dma_start3A_18 : memref<32x384xi32, #tpu.memory_space<vmem>>) target_semaphore(%dma_start3A_14 : memref<!tpu.dma_semaphore, #tpu.memory_space<semaphore_mem>>)
    %scan3A = arith.constant 0 : i32
    %scan3A_23 = arith.constant 0 : i32
    %scan3A_24 = arith.constant 0 : i32
    %scan3A_25 = arith.constant 0 : i32
    %scan3A_26 = arith.constant 48 : i32
    %scan3A_27 = arith.addi %scan3A_25, %scan3A_26 : i32
    %scan3A_28 = arith.constant 1 : i32
    %scan3A_29:3 = scf.for %scan3A_80 = %scan3A_25 to %scan3A_27 step %scan3A_28 iter_args(%scan3A_81 = %scan3A, %scan3A_82 = %scan3A_23, %scan3A_83 = %scan3A_24) -> (i32, i32, i32)  : i32 {
      %eq3A = arith.constant 0 : i32
      %eq3A_84 = arith.cmpi eq, %scan3A_82, %eq3A : i32
      %convert_element_type3A = arith.extui %eq3A_84 : i1 to i32
      %cond3A = arith.constant 0 : i32
      %cond3A_85 = arith.cmpi ne, %convert_element_type3A, %cond3A : i32
      scf.if %cond3A_85 {
        %mul3A_145 = arith.constant 1024 : i32
        %mul3A_146 = arith.muli %mul3A_2, %mul3A_145 : i32
        "tpu.region"() ({
          %run_scoped3A = tpu.sem_alloc : memref<!tpu.dma_semaphore, #tpu.memory_space<semaphore_mem>>
          %dma_start3A_147 = tpu.memref_slice %arg2[%scan3A_81, %mul3A_146] : memref<4x98304xf32, #tpu.memory_space<hbm>> -> memref<1x3072xf32, #tpu.memory_space<hbm>>
          %dma_start3A_148 = tpu.memref_squeeze %dma_start3A_147 : memref<1x3072xf32, #tpu.memory_space<hbm>> -> memref<3072xf32, #tpu.memory_space<hbm>>
          %dma_start3A_149 = tpu.memref_slice %arg2[%scan3A_81, %mul3A_146] : memref<4x98304xf32, #tpu.memory_space<hbm>> -> memref<1x3072xf32, #tpu.memory_space<hbm>>
          %dma_start3A_150 = tpu.memref_squeeze %dma_start3A_149 : memref<1x3072xf32, #tpu.memory_space<hbm>> -> memref<3072xf32, #tpu.memory_space<hbm>>
          tpu.enqueue_dma source(%dma_start3A_150 : memref<3072xf32, #tpu.memory_space<hbm>>) target(%arg5 : memref<3072xf32, #tpu.memory_space<vmem>>) target_semaphore(%run_scoped3A : memref<!tpu.dma_semaphore, #tpu.memory_space<semaphore_mem>>)
          %dma_wait3A_151 = tpu.memref_slice %arg2[%scan3A_81, %mul3A_146] : memref<4x98304xf32, #tpu.memory_space<hbm>> -> memref<1x3072xf32, #tpu.memory_space<hbm>>
          %dma_wait3A_152 = tpu.memref_squeeze %dma_wait3A_151 : memref<1x3072xf32, #tpu.memory_space<hbm>> -> memref<3072xf32, #tpu.memory_space<hbm>>
          %dma_wait3A_153 = tpu.memref_slice %arg2[%scan3A_81, %mul3A_146] : memref<4x98304xf32, #tpu.memory_space<hbm>> -> memref<1x3072xf32, #tpu.memory_space<hbm>>
          %dma_wait3A_154 = tpu.memref_squeeze %dma_wait3A_153 : memref<1x3072xf32, #tpu.memory_space<hbm>> -> memref<3072xf32, #tpu.memory_space<hbm>>
          tpu.wait_dma2 semaphore(%run_scoped3A : memref<!tpu.dma_semaphore, #tpu.memory_space<semaphore_mem>>) src(%dma_wait3A_154 : memref<3072xf32, #tpu.memory_space<hbm>>) dst(%arg5 : memref<3072xf32, #tpu.memory_space<vmem>>)
          tpu.yield
        }) : () -> ()
      } else {
      }
      %eq3A_86 = arith.constant 11 : i32
      %eq3A_87 = arith.cmpi eq, %scan3A_82, %eq3A_86 : i32
      %add3A_88 = arith.constant 1 : i32
      %add3A_89 = arith.addi %scan3A_82, %add3A_88 : i32
      %jit3A = arith.constant 0 : i32
      %select_n3A = arith.select %eq3A_87, %jit3A, %add3A_89 : i32
      %add3A_90 = arith.constant 1 : i32
      %add3A_91 = arith.addi %scan3A_81, %add3A_90 : i32
      %select_n3A_92 = arith.select %eq3A_87, %add3A_91, %scan3A_81 : i32
      %sub3A = arith.constant 1 : i32
      %sub3A_93 = arith.subi %sub3A, %scan3A_83 : i32
      %add3A_94 = arith.constant 1 : i32
      %add3A_95 = arith.addi %scan3A_80, %add3A_94 : i32
      %lt3A = arith.constant 48 : i32
      %lt3A_96 = arith.cmpi slt, %add3A_95, %lt3A : i32
      %convert_element_type3A_97 = arith.extui %lt3A_96 : i1 to i32
      %cond3A_98 = arith.constant 0 : i32
      %cond3A_99 = arith.cmpi ne, %convert_element_type3A_97, %cond3A_98 : i32
      scf.if %cond3A_99 {
        %mul3A_145 = arith.constant 32 : i32
        %mul3A_146 = arith.muli %select_n3A, %mul3A_145 : i32
        %dma_start3A_147 = arith.constant 0 : i32
        %dma_start3A_148 = arith.constant 0 : i32
        %dma_start3A_149 = tpu.memref_slice %arg6[%sub3A_93, %dma_start3A_147, %dma_start3A_148] : memref<2x32x384xi32, #tpu.memory_space<vmem>> -> memref<1x32x384xi32, #tpu.memory_space<vmem>>
        %dma_start3A_150 = tpu.memref_squeeze %dma_start3A_149 : memref<1x32x384xi32, #tpu.memory_space<vmem>> -> memref<32x384xi32, #tpu.memory_space<vmem>>
        %dma_start3A_151 = arith.constant 0 : i32
        %dma_start3A_152 = tpu.memref_slice %arg3[%select_n3A_92, %mul3A_146, %dma_start3A_151] : memref<4x384x384xi32, #tpu.memory_space<hbm>> -> memref<1x32x384xi32, #tpu.memory_space<hbm>>
        %dma_start3A_153 = tpu.memref_squeeze %dma_start3A_152 : memref<1x32x384xi32, #tpu.memory_space<hbm>> -> memref<32x384xi32, #tpu.memory_space<hbm>>
        %dma_start3A_154 = tpu.memref_slice %arg8[%sub3A_93] : memref<2x!tpu.dma_semaphore, #tpu.memory_space<semaphore_mem>> -> memref<1x!tpu.dma_semaphore, #tpu.memory_space<semaphore_mem>>
        %dma_start3A_155 = tpu.memref_squeeze %dma_start3A_154 : memref<1x!tpu.dma_semaphore, #tpu.memory_space<semaphore_mem>> -> memref<!tpu.dma_semaphore, #tpu.memory_space<semaphore_mem>>
        %dma_start3A_156 = arith.constant 0 : i32
        %dma_start3A_157 = arith.constant 0 : i32
        %dma_start3A_158 = tpu.memref_slice %arg6[%sub3A_93, %dma_start3A_156, %dma_start3A_157] : memref<2x32x384xi32, #tpu.memory_space<vmem>> -> memref<1x32x384xi32, #tpu.memory_space<vmem>>
        %dma_start3A_159 = tpu.memref_squeeze %dma_start3A_158 : memref<1x32x384xi32, #tpu.memory_space<vmem>> -> memref<32x384xi32, #tpu.memory_space<vmem>>
        %dma_start3A_160 = arith.constant 0 : i32
        %dma_start3A_161 = tpu.memref_slice %arg3[%select_n3A_92, %mul3A_146, %dma_start3A_160] : memref<4x384x384xi32, #tpu.memory_space<hbm>> -> memref<1x32x384xi32, #tpu.memory_space<hbm>>
        %dma_start3A_162 = tpu.memref_squeeze %dma_start3A_161 : memref<1x32x384xi32, #tpu.memory_space<hbm>> -> memref<32x384xi32, #tpu.memory_space<hbm>>
        tpu.enqueue_dma source(%dma_start3A_162 : memref<32x384xi32, #tpu.memory_space<hbm>>) target(%dma_start3A_159 : memref<32x384xi32, #tpu.memory_space<vmem>>) target_semaphore(%dma_start3A_155 : memref<!tpu.dma_semaphore, #tpu.memory_space<semaphore_mem>>)
      } else {
      }
      %dma_wait3A_100 = arith.constant 0 : i32
      %dma_wait3A_101 = arith.constant 0 : i32
      %dma_wait3A_102 = arith.constant 0 : i32
      %dma_wait3A_103 = tpu.memref_slice %arg6[%scan3A_83, %dma_wait3A_101, %dma_wait3A_102] : memref<2x32x384xi32, #tpu.memory_space<vmem>> -> memref<1x32x384xi32, #tpu.memory_space<vmem>>
      %dma_wait3A_104 = tpu.memref_squeeze %dma_wait3A_103 : memref<1x32x384xi32, #tpu.memory_space<vmem>> -> memref<32x384xi32, #tpu.memory_space<vmem>>
      %dma_wait3A_105 = arith.constant 0 : i32
      %dma_wait3A_106 = arith.constant 0 : i32
      %dma_wait3A_107 = tpu.memref_slice %arg3[%dma_wait3A_100, %dma_wait3A_105, %dma_wait3A_106] : memref<4x384x384xi32, #tpu.memory_space<hbm>> -> memref<1x32x384xi32, #tpu.memory_space<hbm>>
      %dma_wait3A_108 = tpu.memref_squeeze %dma_wait3A_107 : memref<1x32x384xi32, #tpu.memory_space<hbm>> -> memref<32x384xi32, #tpu.memory_space<hbm>>
      %dma_wait3A_109 = tpu.memref_slice %arg8[%scan3A_83] : memref<2x!tpu.dma_semaphore, #tpu.memory_space<semaphore_mem>> -> memref<1x!tpu.dma_semaphore, #tpu.memory_space<semaphore_mem>>
      %dma_wait3A_110 = tpu.memref_squeeze %dma_wait3A_109 : memref<1x!tpu.dma_semaphore, #tpu.memory_space<semaphore_mem>> -> memref<!tpu.dma_semaphore, #tpu.memory_space<semaphore_mem>>
      %dma_wait3A_111 = arith.constant 0 : i32
      %dma_wait3A_112 = arith.constant 0 : i32
      %dma_wait3A_113 = tpu.memref_slice %arg6[%scan3A_83, %dma_wait3A_111, %dma_wait3A_112] : memref<2x32x384xi32, #tpu.memory_space<vmem>> -> memref<1x32x384xi32, #tpu.memory_space<vmem>>
      %dma_wait3A_114 = tpu.memref_squeeze %dma_wait3A_113 : memref<1x32x384xi32, #tpu.memory_space<vmem>> -> memref<32x384xi32, #tpu.memory_space<vmem>>
      %dma_wait3A_115 = arith.constant 0 : i32
      %dma_wait3A_116 = arith.constant 0 : i32
      %dma_wait3A_117 = tpu.memref_slice %arg3[%dma_wait3A_100, %dma_wait3A_115, %dma_wait3A_116] : memref<4x384x384xi32, #tpu.memory_space<hbm>> -> memref<1x32x384xi32, #tpu.memory_space<hbm>>
      %dma_wait3A_118 = tpu.memref_squeeze %dma_wait3A_117 : memref<1x32x384xi32, #tpu.memory_space<hbm>> -> memref<32x384xi32, #tpu.memory_space<hbm>>
      tpu.wait_dma2 semaphore(%dma_wait3A_110 : memref<!tpu.dma_semaphore, #tpu.memory_space<semaphore_mem>>) src(%dma_wait3A_118 : memref<32x384xi32, #tpu.memory_space<hbm>>) dst(%dma_wait3A_114 : memref<32x384xi32, #tpu.memory_space<vmem>>)
      %ge3A = arith.constant 2 : i32
      %ge3A_119 = arith.cmpi sge, %scan3A_80, %ge3A : i32
      %convert_element_type3A_120 = arith.extui %ge3A_119 : i1 to i32
      %cond3A_121 = arith.constant 0 : i32
      %cond3A_122 = arith.cmpi ne, %convert_element_type3A_120, %cond3A_121 : i32
      scf.if %cond3A_122 {
        %dma_wait3A_145 = arith.constant 0 : i32
        %dma_wait3A_146 = arith.constant 0 : i32
        %dma_wait3A_147 = arith.constant 0 : i32
        %dma_wait3A_148 = arith.constant 0 : i32
        %dma_wait3A_149 = tpu.memref_slice %arg7[%scan3A_83, %dma_wait3A_146, %dma_wait3A_147, %dma_wait3A_148] : memref<2x3x32x384xf32, #tpu.memory_space<vmem>> -> memref<1x3x32x384xf32, #tpu.memory_space<vmem>>
        %dma_wait3A_150 = tpu.memref_squeeze %dma_wait3A_149 : memref<1x3x32x384xf32, #tpu.memory_space<vmem>> -> memref<3x32x384xf32, #tpu.memory_space<vmem>>
        %dma_wait3A_151 = arith.constant 0 : i32
        %dma_wait3A_152 = arith.constant 0 : i32
        %dma_wait3A_153 = arith.constant 0 : i32
        %dma_wait3A_154 = tpu.memref_slice %arg4[%dma_wait3A_145, %dma_wait3A_151, %dma_wait3A_152, %dma_wait3A_153] : memref<4x96x384x384xf32, #tpu.memory_space<hbm>> -> memref<1x3x32x384xf32, #tpu.memory_space<hbm>>
        %dma_wait3A_155 = tpu.memref_squeeze %dma_wait3A_154 : memref<1x3x32x384xf32, #tpu.memory_space<hbm>> -> memref<3x32x384xf32, #tpu.memory_space<hbm>>
        %dma_wait3A_156 = tpu.memref_slice %arg9[%scan3A_83] : memref<2x!tpu.dma_semaphore, #tpu.memory_space<semaphore_mem>> -> memref<1x!tpu.dma_semaphore, #tpu.memory_space<semaphore_mem>>
        %dma_wait3A_157 = tpu.memref_squeeze %dma_wait3A_156 : memref<1x!tpu.dma_semaphore, #tpu.memory_space<semaphore_mem>> -> memref<!tpu.dma_semaphore, #tpu.memory_space<semaphore_mem>>
        %dma_wait3A_158 = arith.constant 0 : i32
        %dma_wait3A_159 = arith.constant 0 : i32
        %dma_wait3A_160 = arith.constant 0 : i32
        %dma_wait3A_161 = tpu.memref_slice %arg4[%dma_wait3A_145, %dma_wait3A_158, %dma_wait3A_159, %dma_wait3A_160] : memref<4x96x384x384xf32, #tpu.memory_space<hbm>> -> memref<1x3x32x384xf32, #tpu.memory_space<hbm>>
        %dma_wait3A_162 = tpu.memref_squeeze %dma_wait3A_161 : memref<1x3x32x384xf32, #tpu.memory_space<hbm>> -> memref<3x32x384xf32, #tpu.memory_space<hbm>>
        %dma_wait3A_163 = arith.constant 0 : i32
        %dma_wait3A_164 = arith.constant 0 : i32
        %dma_wait3A_165 = arith.constant 0 : i32
        %dma_wait3A_166 = tpu.memref_slice %arg7[%scan3A_83, %dma_wait3A_163, %dma_wait3A_164, %dma_wait3A_165] : memref<2x3x32x384xf32, #tpu.memory_space<vmem>> -> memref<1x3x32x384xf32, #tpu.memory_space<vmem>>
        %dma_wait3A_167 = tpu.memref_squeeze %dma_wait3A_166 : memref<1x3x32x384xf32, #tpu.memory_space<vmem>> -> memref<3x32x384xf32, #tpu.memory_space<vmem>>
        tpu.wait_dma2 semaphore(%dma_wait3A_157 : memref<!tpu.dma_semaphore, #tpu.memory_space<semaphore_mem>>) src(%dma_wait3A_167 : memref<3x32x384xf32, #tpu.memory_space<vmem>>) dst(%dma_wait3A_162 : memref<3x32x384xf32, #tpu.memory_space<hbm>>)
      } else {
      }
      %parallel_loop3A = arith.constant 0 : i32
      %parallel_loop3A_123 = arith.constant 32 : i32
      %parallel_loop3A_124 = arith.constant 1 : i32
      scf.for %parallel_loop3A_145 = %parallel_loop3A to %parallel_loop3A_123 step %parallel_loop3A_124  : i32 {
        %parallel_loop3A_146 = arith.index_cast %scan3A_83 : i32 to index
        %parallel_loop3A_147 = arith.index_cast %parallel_loop3A_145 : i32 to index
        %parallel_loop3A_148 = arith.constant 0 : index
        %parallel_loop3A_149 = tpu.vector_load %arg6[%parallel_loop3A_146, %parallel_loop3A_147, %parallel_loop3A_148] {strides = array<i32>} : memref<2x32x384xi32, #tpu.memory_space<vmem>>, vector<16xi32>,
        %parallel_loop3A_150 = arith.constant 0 : i32
        %parallel_loop3A_151 = vector.broadcast %parallel_loop3A_150 : i32 to vector<16xi32>
        %parallel_loop3A_152 = arith.addi %parallel_loop3A_149, %parallel_loop3A_151 : vector<16xi32>
        %parallel_loop3A_153 = tpu.vector_load_idx %arg5[%parallel_loop3A_152] : memref<3072xf32, #tpu.memory_space<vmem>>[vector<16xi32>], vector<16xf32>,
        %parallel_loop3A_154 = arith.constant 1024 : i32
        %parallel_loop3A_155 = vector.broadcast %parallel_loop3A_154 : i32 to vector<16xi32>
        %parallel_loop3A_156 = arith.addi %parallel_loop3A_149, %parallel_loop3A_155 : vector<16xi32>
        %parallel_loop3A_157 = tpu.vector_load_idx %arg5[%parallel_loop3A_156] : memref<3072xf32, #tpu.memory_space<vmem>>[vector<16xi32>], vector<16xf32>,
        %parallel_loop3A_158 = arith.constant 2048 : i32
        %parallel_loop3A_159 = vector.broadcast %parallel_loop3A_158 : i32 to vector<16xi32>
        %parallel_loop3A_160 = arith.addi %parallel_loop3A_149, %parallel_loop3A_159 : vector<16xi32>
        %parallel_loop3A_161 = tpu.vector_load_idx %arg5[%parallel_loop3A_160] : memref<3072xf32, #tpu.memory_space<vmem>>[vector<16xi32>], vector<16xf32>,
        %parallel_loop3A_162 = arith.constant 0 : i32
        %parallel_loop3A_163 = arith.index_cast %scan3A_83 : i32 to index
        %parallel_loop3A_164 = arith.index_cast %parallel_loop3A_162 : i32 to index
        %parallel_loop3A_165 = arith.index_cast %parallel_loop3A_145 : i32 to index
        %parallel_loop3A_166 = arith.constant 0 : index
        %parallel_loop3A_167 = tpu.vector_load %arg7[%parallel_loop3A_163, %parallel_loop3A_164, %parallel_loop3A_165, %parallel_loop3A_166] {strides = array<i32>} : memref<2x3x32x384xf32, #tpu.memory_space<vmem>>, vector<16xf32>,
        tpu.vector_store %arg7[%parallel_loop3A_163, %parallel_loop3A_164, %parallel_loop3A_165, %parallel_loop3A_166], %parallel_loop3A_153 {strides = array<i32>} : memref<2x3x32x384xf32, #tpu.memory_space<vmem>>, vector<16xf32>,
        %parallel_loop3A_168 = arith.constant 1 : i32
        %parallel_loop3A_169 = arith.index_cast %scan3A_83 : i32 to index
        %parallel_loop3A_170 = arith.index_cast %parallel_loop3A_168 : i32 to index
        %parallel_loop3A_171 = arith.index_cast %parallel_loop3A_145 : i32 to index
        %parallel_loop3A_172 = arith.constant 0 : index
        %parallel_loop3A_173 = tpu.vector_load %arg7[%parallel_loop3A_169, %parallel_loop3A_170, %parallel_loop3A_171, %parallel_loop3A_172] {strides = array<i32>} : memref<2x3x32x384xf32, #tpu.memory_space<vmem>>, vector<16xf32>,
        tpu.vector_store %arg7[%parallel_loop3A_169, %parallel_loop3A_170, %parallel_loop3A_171, %parallel_loop3A_172], %parallel_loop3A_157 {strides = array<i32>} : memref<2x3x32x384xf32, #tpu.memory_space<vmem>>, vector<16xf32>,
        %parallel_loop3A_174 = arith.constant 2 : i32
        %parallel_loop3A_175 = arith.index_cast %scan3A_83 : i32 to index
        %parallel_loop3A_176 = arith.index_cast %parallel_loop3A_174 : i32 to index
        %parallel_loop3A_177 = arith.index_cast %parallel_loop3A_145 : i32 to index
        %parallel_loop3A_178 = arith.constant 0 : index
        %parallel_loop3A_179 = tpu.vector_load %arg7[%parallel_loop3A_175, %parallel_loop3A_176, %parallel_loop3A_177, %parallel_loop3A_178] {strides = array<i32>} : memref<2x3x32x384xf32, #tpu.memory_space<vmem>>, vector<16xf32>,
        tpu.vector_store %arg7[%parallel_loop3A_175, %parallel_loop3A_176, %parallel_loop3A_177, %parallel_loop3A_178], %parallel_loop3A_161 {strides = array<i32>} : memref<2x3x32x384xf32, #tpu.memory_space<vmem>>, vector<16xf32>,
        %parallel_loop3A_180 = arith.index_cast %scan3A_83 : i32 to index
        %parallel_loop3A_181 = arith.index_cast %parallel_loop3A_145 : i32 to index
        %parallel_loop3A_182 = arith.constant 16 : index
        %parallel_loop3A_183 = tpu.vector_load %arg6[%parallel_loop3A_180, %parallel_loop3A_181, %parallel_loop3A_182] {strides = array<i32>} : memref<2x32x384xi32, #tpu.memory_space<vmem>>, vector<16xi32>,
        %parallel_loop3A_184 = arith.constant 0 : i32
        %parallel_loop3A_185 = vector.broadcast %parallel_loop3A_184 : i32 to vector<16xi32>
        %parallel_loop3A_186 = arith.addi %parallel_loop3A_183, %parallel_loop3A_185 : vector<16xi32>
        %parallel_loop3A_187 = tpu.vector_load_idx %arg5[%parallel_loop3A_186] : memref<3072xf32, #tpu.memory_space<vmem>>[vector<16xi32>], vector<16xf32>,
        %parallel_loop3A_188 = arith.constant 1024 : i32
        %parallel_loop3A_189 = vector.broadcast %parallel_loop3A_188 : i32 to vector<16xi32>
        %parallel_loop3A_190 = arith.addi %parallel_loop3A_183, %parallel_loop3A_189 : vector<16xi32>
        %parallel_loop3A_191 = tpu.vector_load_idx %arg5[%parallel_loop3A_190] : memref<3072xf32, #tpu.memory_space<vmem>>[vector<16xi32>], vector<16xf32>,
        %parallel_loop3A_192 = arith.constant 2048 : i32
        %parallel_loop3A_193 = vector.broadcast %parallel_loop3A_192 : i32 to vector<16xi32>
        %parallel_loop3A_194 = arith.addi %parallel_loop3A_183, %parallel_loop3A_193 : vector<16xi32>
        %parallel_loop3A_195 = tpu.vector_load_idx %arg5[%parallel_loop3A_194] : memref<3072xf32, #tpu.memory_space<vmem>>[vector<16xi32>], vector<16xf32>,
        %parallel_loop3A_196 = arith.constant 0 : i32
        %parallel_loop3A_197 = arith.index_cast %scan3A_83 : i32 to index
        %parallel_loop3A_198 = arith.index_cast %parallel_loop3A_196 : i32 to index
        %parallel_loop3A_199 = arith.index_cast %parallel_loop3A_145 : i32 to index
        %parallel_loop3A_200 = arith.constant 16 : index
        %parallel_loop3A_201 = tpu.vector_load %arg7[%parallel_loop3A_197, %parallel_loop3A_198, %parallel_loop3A_199, %parallel_loop3A_200] {strides = array<i32>} : memref<2x3x32x384xf32, #tpu.memory_space<vmem>>, vector<16xf32>,
        tpu.vector_store %arg7[%parallel_loop3A_197, %parallel_loop3A_198, %parallel_loop3A_199, %parallel_loop3A_200], %parallel_loop3A_187 {strides = array<i32>} : memref<2x3x32x384xf32, #tpu.memory_space<vmem>>, vector<16xf32>,
        %parallel_loop3A_202 = arith.constant 1 : i32
        %parallel_loop3A_203 = arith.index_cast %scan3A_83 : i32 to index
        %parallel_loop3A_204 = arith.index_cast %parallel_loop3A_202 : i32 to index
        %parallel_loop3A_205 = arith.index_cast %parallel_loop3A_145 : i32 to index
        %parallel_loop3A_206 = arith.constant 16 : index
        %parallel_loop3A_207 = tpu.vector_load %arg7[%parallel_loop3A_203, %parallel_loop3A_204, %parallel_loop3A_205, %parallel_loop3A_206] {strides = array<i32>} : memref<2x3x32x384xf32, #tpu.memory_space<vmem>>, vector<16xf32>,
        tpu.vector_store %arg7[%parallel_loop3A_203, %parallel_loop3A_204, %parallel_loop3A_205, %parallel_loop3A_206], %parallel_loop3A_191 {strides = array<i32>} : memref<2x3x32x384xf32, #tpu.memory_space<vmem>>, vector<16xf32>,
        %parallel_loop3A_208 = arith.constant 2 : i32
        %parallel_loop3A_209 = arith.index_cast %scan3A_83 : i32 to index
        %parallel_loop3A_210 = arith.index_cast %parallel_loop3A_208 : i32 to index
        %parallel_loop3A_211 = arith.index_cast %parallel_loop3A_145 : i32 to index
        %parallel_loop3A_212 = arith.constant 16 : index
        %parallel_loop3A_213 = tpu.vector_load %arg7[%parallel_loop3A_209, %parallel_loop3A_210, %parallel_loop3A_211, %parallel_loop3A_212] {strides = array<i32>} : memref<2x3x32x384xf32, #tpu.memory_space<vmem>>, vector<16xf32>,
        tpu.vector_store %arg7[%parallel_loop3A_209, %parallel_loop3A_210, %parallel_loop3A_211, %parallel_loop3A_212], %parallel_loop3A_195 {strides = array<i32>} : memref<2x3x32x384xf32, #tpu.memory_space<vmem>>, vector<16xf32>,
        %parallel_loop3A_214 = arith.index_cast %scan3A_83 : i32 to index
        %parallel_loop3A_215 = arith.index_cast %parallel_loop3A_145 : i32 to index
        %parallel_loop3A_216 = arith.constant 32 : index
        %parallel_loop3A_217 = tpu.vector_load %arg6[%parallel_loop3A_214, %parallel_loop3A_215, %parallel_loop3A_216] {strides = array<i32>} : memref<2x32x384xi32, #tpu.memory_space<vmem>>, vector<16xi32>,
        %parallel_loop3A_218 = arith.constant 0 : i32
        %parallel_loop3A_219 = vector.broadcast %parallel_loop3A_218 : i32 to vector<16xi32>
        %parallel_loop3A_220 = arith.addi %parallel_loop3A_217, %parallel_loop3A_219 : vector<16xi32>
        %parallel_loop3A_221 = tpu.vector_load_idx %arg5[%parallel_loop3A_220] : memref<3072xf32, #tpu.memory_space<vmem>>[vector<16xi32>], vector<16xf32>,
        %parallel_loop3A_222 = arith.constant 1024 : i32
        %parallel_loop3A_223 = vector.broadcast %parallel_loop3A_222 : i32 to vector<16xi32>
        %parallel_loop3A_224 = arith.addi %parallel_loop3A_217, %parallel_loop3A_223 : vector<16xi32>
        %parallel_loop3A_225 = tpu.vector_load_idx %arg5[%parallel_loop3A_224] : memref<3072xf32, #tpu.memory_space<vmem>>[vector<16xi32>], vector<16xf32>,
        %parallel_loop3A_226 = arith.constant 2048 : i32
        %parallel_loop3A_227 = vector.broadcast %parallel_loop3A_226 : i32 to vector<16xi32>
        %parallel_loop3A_228 = arith.addi %parallel_loop3A_217, %parallel_loop3A_227 : vector<16xi32>
        %parallel_loop3A_229 = tpu.vector_load_idx %arg5[%parallel_loop3A_228] : memref<3072xf32, #tpu.memory_space<vmem>>[vector<16xi32>], vector<16xf32>,
        %parallel_loop3A_230 = arith.constant 0 : i32
        %parallel_loop3A_231 = arith.index_cast %scan3A_83 : i32 to index
        %parallel_loop3A_232 = arith.index_cast %parallel_loop3A_230 : i32 to index
        %parallel_loop3A_233 = arith.index_cast %parallel_loop3A_145 : i32 to index
        %parallel_loop3A_234 = arith.constant 32 : index
        %parallel_loop3A_235 = tpu.vector_load %arg7[%parallel_loop3A_231, %parallel_loop3A_232, %parallel_loop3A_233, %parallel_loop3A_234] {strides = array<i32>} : memref<2x3x32x384xf32, #tpu.memory_space<vmem>>, vector<16xf32>,
        tpu.vector_store %arg7[%parallel_loop3A_231, %parallel_loop3A_232, %parallel_loop3A_233, %parallel_loop3A_234], %parallel_loop3A_221 {strides = array<i32>} : memref<2x3x32x384xf32, #tpu.memory_space<vmem>>, vector<16xf32>,
        %parallel_loop3A_236 = arith.constant 1 : i32
        %parallel_loop3A_237 = arith.index_cast %scan3A_83 : i32 to index
        %parallel_loop3A_238 = arith.index_cast %parallel_loop3A_236 : i32 to index
        %parallel_loop3A_239 = arith.index_cast %parallel_loop3A_145 : i32 to index
        %parallel_loop3A_240 = arith.constant 32 : index
        %parallel_loop3A_241 = tpu.vector_load %arg7[%parallel_loop3A_237, %parallel_loop3A_238, %parallel_loop3A_239, %parallel_loop3A_240] {strides = array<i32>} : memref<2x3x32x384xf32, #tpu.memory_space<vmem>>, vector<16xf32>,
        tpu.vector_store %arg7[%parallel_loop3A_237, %parallel_loop3A_238, %parallel_loop3A_239, %parallel_loop3A_240], %parallel_loop3A_225 {strides = array<i32>} : memref<2x3x32x384xf32, #tpu.memory_space<vmem>>, vector<16xf32>,
        %parallel_loop3A_242 = arith.constant 2 : i32
        %parallel_loop3A_243 = arith.index_cast %scan3A_83 : i32 to index
        %parallel_loop3A_244 = arith.index_cast %parallel_loop3A_242 : i32 to index
        %parallel_loop3A_245 = arith.index_cast %parallel_loop3A_145 : i32 to index
        %parallel_loop3A_246 = arith.constant 32 : index
        %parallel_loop3A_247 = tpu.vector_load %arg7[%parallel_loop3A_243, %parallel_loop3A_244, %parallel_loop3A_245, %parallel_loop3A_246] {strides = array<i32>} : memref<2x3x32x384xf32, #tpu.memory_space<vmem>>, vector<16xf32>,
        tpu.vector_store %arg7[%parallel_loop3A_243, %parallel_loop3A_244, %parallel_loop3A_245, %parallel_loop3A_246], %parallel_loop3A_229 {strides = array<i32>} : memref<2x3x32x384xf32, #tpu.memory_space<vmem>>, vector<16xf32>,
        %parallel_loop3A_248 = arith.index_cast %scan3A_83 : i32 to index
        %parallel_loop3A_249 = arith.index_cast %parallel_loop3A_145 : i32 to index
        %parallel_loop3A_250 = arith.constant 48 : index
        %parallel_loop3A_251 = tpu.vector_load %arg6[%parallel_loop3A_248, %parallel_loop3A_249, %parallel_loop3A_250] {strides = array<i32>} : memref<2x32x384xi32, #tpu.memory_space<vmem>>, vector<16xi32>,
        %parallel_loop3A_252 = arith.constant 0 : i32
        %parallel_loop3A_253 = vector.broadcast %parallel_loop3A_252 : i32 to vector<16xi32>
        %parallel_loop3A_254 = arith.addi %parallel_loop3A_251, %parallel_loop3A_253 : vector<16xi32>
        %parallel_loop3A_255 = tpu.vector_load_idx %arg5[%parallel_loop3A_254] : memref<3072xf32, #tpu.memory_space<vmem>>[vector<16xi32>], vector<16xf32>,
        %parallel_loop3A_256 = arith.constant 1024 : i32
        %parallel_loop3A_257 = vector.broadcast %parallel_loop3A_256 : i32 to vector<16xi32>
        %parallel_loop3A_258 = arith.addi %parallel_loop3A_251, %parallel_loop3A_257 : vector<16xi32>
        %parallel_loop3A_259 = tpu.vector_load_idx %arg5[%parallel_loop3A_258] : memref<3072xf32, #tpu.memory_space<vmem>>[vector<16xi32>], vector<16xf32>,
        %parallel_loop3A_260 = arith.constant 2048 : i32
        %parallel_loop3A_261 = vector.broadcast %parallel_loop3A_260 : i32 to vector<16xi32>
        %parallel_loop3A_262 = arith.addi %parallel_loop3A_251, %parallel_loop3A_261 : vector<16xi32>
        %parallel_loop3A_263 = tpu.vector_load_idx %arg5[%parallel_loop3A_262] : memref<3072xf32, #tpu.memory_space<vmem>>[vector<16xi32>], vector<16xf32>,
        %parallel_loop3A_264 = arith.constant 0 : i32
        %parallel_loop3A_265 = arith.index_cast %scan3A_83 : i32 to index
        %parallel_loop3A_266 = arith.index_cast %parallel_loop3A_264 : i32 to index
        %parallel_loop3A_267 = arith.index_cast %parallel_loop3A_145 : i32 to index
        %parallel_loop3A_268 = arith.constant 48 : index
        %parallel_loop3A_269 = tpu.vector_load %arg7[%parallel_loop3A_265, %parallel_loop3A_266, %parallel_loop3A_267, %parallel_loop3A_268] {strides = array<i32>} : memref<2x3x32x384xf32, #tpu.memory_space<vmem>>, vector<16xf32>,
        tpu.vector_store %arg7[%parallel_loop3A_265, %parallel_loop3A_266, %parallel_loop3A_267, %parallel_loop3A_268], %parallel_loop3A_255 {strides = array<i32>} : memref<2x3x32x384xf32, #tpu.memory_space<vmem>>, vector<16xf32>,
        %parallel_loop3A_270 = arith.constant 1 : i32
        %parallel_loop3A_271 = arith.index_cast %scan3A_83 : i32 to index
        %parallel_loop3A_272 = arith.index_cast %parallel_loop3A_270 : i32 to index
        %parallel_loop3A_273 = arith.index_cast %parallel_loop3A_145 : i32 to index
        %parallel_loop3A_274 = arith.constant 48 : index
        %parallel_loop3A_275 = tpu.vector_load %arg7[%parallel_loop3A_271, %parallel_loop3A_272, %parallel_loop3A_273, %parallel_loop3A_274] {strides = array<i32>} : memref<2x3x32x384xf32, #tpu.memory_space<vmem>>, vector<16xf32>,
        tpu.vector_store %arg7[%parallel_loop3A_271, %parallel_loop3A_272, %parallel_loop3A_273, %parallel_loop3A_274], %parallel_loop3A_259 {strides = array<i32>} : memref<2x3x32x384xf32, #tpu.memory_space<vmem>>, vector<16xf32>,
        %parallel_loop3A_276 = arith.constant 2 : i32
        %parallel_loop3A_277 = arith.index_cast %scan3A_83 : i32 to index
        %parallel_loop3A_278 = arith.index_cast %parallel_loop3A_276 : i32 to index
        %parallel_loop3A_279 = arith.index_cast %parallel_loop3A_145 : i32 to index
        %parallel_loop3A_280 = arith.constant 48 : index
        %parallel_loop3A_281 = tpu.vector_load %arg7[%parallel_loop3A_277, %parallel_loop3A_278, %parallel_loop3A_279, %parallel_loop3A_280] {strides = array<i32>} : memref<2x3x32x384xf32, #tpu.memory_space<vmem>>, vector<16xf32>,
        tpu.vector_store %arg7[%parallel_loop3A_277, %parallel_loop3A_278, %parallel_loop3A_279, %parallel_loop3A_280], %parallel_loop3A_263 {strides = array<i32>} : memref<2x3x32x384xf32, #tpu.memory_space<vmem>>, vector<16xf32>,
        %parallel_loop3A_282 = arith.index_cast %scan3A_83 : i32 to index
        %parallel_loop3A_283 = arith.index_cast %parallel_loop3A_145 : i32 to index
        %parallel_loop3A_284 = arith.constant 64 : index
        %parallel_loop3A_285 = tpu.vector_load %arg6[%parallel_loop3A_282, %parallel_loop3A_283, %parallel_loop3A_284] {strides = array<i32>} : memref<2x32x384xi32, #tpu.memory_space<vmem>>, vector<16xi32>,
        %parallel_loop3A_286 = arith.constant 0 : i32
        %parallel_loop3A_287 = vector.broadcast %parallel_loop3A_286 : i32 to vector<16xi32>
        %parallel_loop3A_288 = arith.addi %parallel_loop3A_285, %parallel_loop3A_287 : vector<16xi32>
        %parallel_loop3A_289 = tpu.vector_load_idx %arg5[%parallel_loop3A_288] : memref<3072xf32, #tpu.memory_space<vmem>>[vector<16xi32>], vector<16xf32>,
        %parallel_loop3A_290 = arith.constant 1024 : i32
        %parallel_loop3A_291 = vector.broadcast %parallel_loop3A_290 : i32 to vector<16xi32>
        %parallel_loop3A_292 = arith.addi %parallel_loop3A_285, %parallel_loop3A_291 : vector<16xi32>
        %parallel_loop3A_293 = tpu.vector_load_idx %arg5[%parallel_loop3A_292] : memref<3072xf32, #tpu.memory_space<vmem>>[vector<16xi32>], vector<16xf32>,
        %parallel_loop3A_294 = arith.constant 2048 : i32
        %parallel_loop3A_295 = vector.broadcast %parallel_loop3A_294 : i32 to vector<16xi32>
        %parallel_loop3A_296 = arith.addi %parallel_loop3A_285, %parallel_loop3A_295 : vector<16xi32>
        %parallel_loop3A_297 = tpu.vector_load_idx %arg5[%parallel_loop3A_296] : memref<3072xf32, #tpu.memory_space<vmem>>[vector<16xi32>], vector<16xf32>,
        %parallel_loop3A_298 = arith.constant 0 : i32
        %parallel_loop3A_299 = arith.index_cast %scan3A_83 : i32 to index
        %parallel_loop3A_300 = arith.index_cast %parallel_loop3A_298 : i32 to index
        %parallel_loop3A_301 = arith.index_cast %parallel_loop3A_145 : i32 to index
        %parallel_loop3A_302 = arith.constant 64 : index
        %parallel_loop3A_303 = tpu.vector_load %arg7[%parallel_loop3A_299, %parallel_loop3A_300, %parallel_loop3A_301, %parallel_loop3A_302] {strides = array<i32>} : memref<2x3x32x384xf32, #tpu.memory_space<vmem>>, vector<16xf32>,
        tpu.vector_store %arg7[%parallel_loop3A_299, %parallel_loop3A_300, %parallel_loop3A_301, %parallel_loop3A_302], %parallel_loop3A_289 {strides = array<i32>} : memref<2x3x32x384xf32, #tpu.memory_space<vmem>>, vector<16xf32>,
        %parallel_loop3A_304 = arith.constant 1 : i32
        %parallel_loop3A_305 = arith.index_cast %scan3A_83 : i32 to index
        %parallel_loop3A_306 = arith.index_cast %parallel_loop3A_304 : i32 to index
        %parallel_loop3A_307 = arith.index_cast %parallel_loop3A_145 : i32 to index
        %parallel_loop3A_308 = arith.constant 64 : index
        %parallel_loop3A_309 = tpu.vector_load %arg7[%parallel_loop3A_305, %parallel_loop3A_306, %parallel_loop3A_307, %parallel_loop3A_308] {strides = array<i32>} : memref<2x3x32x384xf32, #tpu.memory_space<vmem>>, vector<16xf32>,
        tpu.vector_store %arg7[%parallel_loop3A_305, %parallel_loop3A_306, %parallel_loop3A_307, %parallel_loop3A_308], %parallel_loop3A_293 {strides = array<i32>} : memref<2x3x32x384xf32, #tpu.memory_space<vmem>>, vector<16xf32>,
        %parallel_loop3A_310 = arith.constant 2 : i32
        %parallel_loop3A_311 = arith.index_cast %scan3A_83 : i32 to index
        %parallel_loop3A_312 = arith.index_cast %parallel_loop3A_310 : i32 to index
        %parallel_loop3A_313 = arith.index_cast %parallel_loop3A_145 : i32 to index
        %parallel_loop3A_314 = arith.constant 64 : index
        %parallel_loop3A_315 = tpu.vector_load %arg7[%parallel_loop3A_311, %parallel_loop3A_312, %parallel_loop3A_313, %parallel_loop3A_314] {strides = array<i32>} : memref<2x3x32x384xf32, #tpu.memory_space<vmem>>, vector<16xf32>,
        tpu.vector_store %arg7[%parallel_loop3A_311, %parallel_loop3A_312, %parallel_loop3A_313, %parallel_loop3A_314], %parallel_loop3A_297 {strides = array<i32>} : memref<2x3x32x384xf32, #tpu.memory_space<vmem>>, vector<16xf32>,
        %parallel_loop3A_316 = arith.index_cast %scan3A_83 : i32 to index
        %parallel_loop3A_317 = arith.index_cast %parallel_loop3A_145 : i32 to index
        %parallel_loop3A_318 = arith.constant 80 : index
        %parallel_loop3A_319 = tpu.vector_load %arg6[%parallel_loop3A_316, %parallel_loop3A_317, %parallel_loop3A_318] {strides = array<i32>} : memref<2x32x384xi32, #tpu.memory_space<vmem>>, vector<16xi32>,
        %parallel_loop3A_320 = arith.constant 0 : i32
        %parallel_loop3A_321 = vector.broadcast %parallel_loop3A_320 : i32 to vector<16xi32>
        %parallel_loop3A_322 = arith.addi %parallel_loop3A_319, %parallel_loop3A_321 : vector<16xi32>
        %parallel_loop3A_323 = tpu.vector_load_idx %arg5[%parallel_loop3A_322] : memref<3072xf32, #tpu.memory_space<vmem>>[vector<16xi32>], vector<16xf32>,
        %parallel_loop3A_324 = arith.constant 1024 : i32
        %parallel_loop3A_325 = vector.broadcast %parallel_loop3A_324 : i32 to vector<16xi32>
        %parallel_loop3A_326 = arith.addi %parallel_loop3A_319, %parallel_loop3A_325 : vector<16xi32>
        %parallel_loop3A_327 = tpu.vector_load_idx %arg5[%parallel_loop3A_326] : memref<3072xf32, #tpu.memory_space<vmem>>[vector<16xi32>], vector<16xf32>,
        %parallel_loop3A_328 = arith.constant 2048 : i32
        %parallel_loop3A_329 = vector.broadcast %parallel_loop3A_328 : i32 to vector<16xi32>
        %parallel_loop3A_330 = arith.addi %parallel_loop3A_319, %parallel_loop3A_329 : vector<16xi32>
        %parallel_loop3A_331 = tpu.vector_load_idx %arg5[%parallel_loop3A_330] : memref<3072xf32, #tpu.memory_space<vmem>>[vector<16xi32>], vector<16xf32>,
        %parallel_loop3A_332 = arith.constant 0 : i32
        %parallel_loop3A_333 = arith.index_cast %scan3A_83 : i32 to index
        %parallel_loop3A_334 = arith.index_cast %parallel_loop3A_332 : i32 to index
        %parallel_loop3A_335 = arith.index_cast %parallel_loop3A_145 : i32 to index
        %parallel_loop3A_336 = arith.constant 80 : index
        %parallel_loop3A_337 = tpu.vector_load %arg7[%parallel_loop3A_333, %parallel_loop3A_334, %parallel_loop3A_335, %parallel_loop3A_336] {strides = array<i32>} : memref<2x3x32x384xf32, #tpu.memory_space<vmem>>, vector<16xf32>,
        tpu.vector_store %arg7[%parallel_loop3A_333, %parallel_loop3A_334, %parallel_loop3A_335, %parallel_loop3A_336], %parallel_loop3A_323 {strides = array<i32>} : memref<2x3x32x384xf32, #tpu.memory_space<vmem>>, vector<16xf32>,
        %parallel_loop3A_338 = arith.constant 1 : i32
        %parallel_loop3A_339 = arith.index_cast %scan3A_83 : i32 to index
        %parallel_loop3A_340 = arith.index_cast %parallel_loop3A_338 : i32 to index
        %parallel_loop3A_341 = arith.index_cast %parallel_loop3A_145 : i32 to index
        %parallel_loop3A_342 = arith.constant 80 : index
        %parallel_loop3A_343 = tpu.vector_load %arg7[%parallel_loop3A_339, %parallel_loop3A_340, %parallel_loop3A_341, %parallel_loop3A_342] {strides = array<i32>} : memref<2x3x32x384xf32, #tpu.memory_space<vmem>>, vector<16xf32>,
        tpu.vector_store %arg7[%parallel_loop3A_339, %parallel_loop3A_340, %parallel_loop3A_341, %parallel_loop3A_342], %parallel_loop3A_327 {strides = array<i32>} : memref<2x3x32x384xf32, #tpu.memory_space<vmem>>, vector<16xf32>,
        %parallel_loop3A_344 = arith.constant 2 : i32
        %parallel_loop3A_345 = arith.index_cast %scan3A_83 : i32 to index
        %parallel_loop3A_346 = arith.index_cast %parallel_loop3A_344 : i32 to index
        %parallel_loop3A_347 = arith.index_cast %parallel_loop3A_145 : i32 to index
        %parallel_loop3A_348 = arith.constant 80 : index
        %parallel_loop3A_349 = tpu.vector_load %arg7[%parallel_loop3A_345, %parallel_loop3A_346, %parallel_loop3A_347, %parallel_loop3A_348] {strides = array<i32>} : memref<2x3x32x384xf32, #tpu.memory_space<vmem>>, vector<16xf32>,
        tpu.vector_store %arg7[%parallel_loop3A_345, %parallel_loop3A_346, %parallel_loop3A_347, %parallel_loop3A_348], %parallel_loop3A_331 {strides = array<i32>} : memref<2x3x32x384xf32, #tpu.memory_space<vmem>>, vector<16xf32>,
        %parallel_loop3A_350 = arith.index_cast %scan3A_83 : i32 to index
        %parallel_loop3A_351 = arith.index_cast %parallel_loop3A_145 : i32 to index
        %parallel_loop3A_352 = arith.constant 96 : index
        %parallel_loop3A_353 = tpu.vector_load %arg6[%parallel_loop3A_350, %parallel_loop3A_351, %parallel_loop3A_352] {strides = array<i32>} : memref<2x32x384xi32, #tpu.memory_space<vmem>>, vector<16xi32>,
        %parallel_loop3A_354 = arith.constant 0 : i32
        %parallel_loop3A_355 = vector.broadcast %parallel_loop3A_354 : i32 to vector<16xi32>
        %parallel_loop3A_356 = arith.addi %parallel_loop3A_353, %parallel_loop3A_355 : vector<16xi32>
        %parallel_loop3A_357 = tpu.vector_load_idx %arg5[%parallel_loop3A_356] : memref<3072xf32, #tpu.memory_space<vmem>>[vector<16xi32>], vector<16xf32>,
        %parallel_loop3A_358 = arith.constant 1024 : i32
        %parallel_loop3A_359 = vector.broadcast %parallel_loop3A_358 : i32 to vector<16xi32>
        %parallel_loop3A_360 = arith.addi %parallel_loop3A_353, %parallel_loop3A_359 : vector<16xi32>
        %parallel_loop3A_361 = tpu.vector_load_idx %arg5[%parallel_loop3A_360] : memref<3072xf32, #tpu.memory_space<vmem>>[vector<16xi32>], vector<16xf32>,
        %parallel_loop3A_362 = arith.constant 2048 : i32
        %parallel_loop3A_363 = vector.broadcast %parallel_loop3A_362 : i32 to vector<16xi32>
        %parallel_loop3A_364 = arith.addi %parallel_loop3A_353, %parallel_loop3A_363 : vector<16xi32>
        %parallel_loop3A_365 = tpu.vector_load_idx %arg5[%parallel_loop3A_364] : memref<3072xf32, #tpu.memory_space<vmem>>[vector<16xi32>], vector<16xf32>,
        %parallel_loop3A_366 = arith.constant 0 : i32
        %parallel_loop3A_367 = arith.index_cast %scan3A_83 : i32 to index
        %parallel_loop3A_368 = arith.index_cast %parallel_loop3A_366 : i32 to index
        %parallel_loop3A_369 = arith.index_cast %parallel_loop3A_145 : i32 to index
        %parallel_loop3A_370 = arith.constant 96 : index
        %parallel_loop3A_371 = tpu.vector_load %arg7[%parallel_loop3A_367, %parallel_loop3A_368, %parallel_loop3A_369, %parallel_loop3A_370] {strides = array<i32>} : memref<2x3x32x384xf32, #tpu.memory_space<vmem>>, vector<16xf32>,
        tpu.vector_store %arg7[%parallel_loop3A_367, %parallel_loop3A_368, %parallel_loop3A_369, %parallel_loop3A_370], %parallel_loop3A_357 {strides = array<i32>} : memref<2x3x32x384xf32, #tpu.memory_space<vmem>>, vector<16xf32>,
        %parallel_loop3A_372 = arith.constant 1 : i32
        %parallel_loop3A_373 = arith.index_cast %scan3A_83 : i32 to index
        %parallel_loop3A_374 = arith.index_cast %parallel_loop3A_372 : i32 to index
        %parallel_loop3A_375 = arith.index_cast %parallel_loop3A_145 : i32 to index
        %parallel_loop3A_376 = arith.constant 96 : index
        %parallel_loop3A_377 = tpu.vector_load %arg7[%parallel_loop3A_373, %parallel_loop3A_374, %parallel_loop3A_375, %parallel_loop3A_376] {strides = array<i32>} : memref<2x3x32x384xf32, #tpu.memory_space<vmem>>, vector<16xf32>,
        tpu.vector_store %arg7[%parallel_loop3A_373, %parallel_loop3A_374, %parallel_loop3A_375, %parallel_loop3A_376], %parallel_loop3A_361 {strides = array<i32>} : memref<2x3x32x384xf32, #tpu.memory_space<vmem>>, vector<16xf32>,
        %parallel_loop3A_378 = arith.constant 2 : i32
        %parallel_loop3A_379 = arith.index_cast %scan3A_83 : i32 to index
        %parallel_loop3A_380 = arith.index_cast %parallel_loop3A_378 : i32 to index
        %parallel_loop3A_381 = arith.index_cast %parallel_loop3A_145 : i32 to index
        %parallel_loop3A_382 = arith.constant 96 : index
        %parallel_loop3A_383 = tpu.vector_load %arg7[%parallel_loop3A_379, %parallel_loop3A_380, %parallel_loop3A_381, %parallel_loop3A_382] {strides = array<i32>} : memref<2x3x32x384xf32, #tpu.memory_space<vmem>>, vector<16xf32>,
        tpu.vector_store %arg7[%parallel_loop3A_379, %parallel_loop3A_380, %parallel_loop3A_381, %parallel_loop3A_382], %parallel_loop3A_365 {strides = array<i32>} : memref<2x3x32x384xf32, #tpu.memory_space<vmem>>, vector<16xf32>,
        %parallel_loop3A_384 = arith.index_cast %scan3A_83 : i32 to index
        %parallel_loop3A_385 = arith.index_cast %parallel_loop3A_145 : i32 to index
        %parallel_loop3A_386 = arith.constant 112 : index
        %parallel_loop3A_387 = tpu.vector_load %arg6[%parallel_loop3A_384, %parallel_loop3A_385, %parallel_loop3A_386] {strides = array<i32>} : memref<2x32x384xi32, #tpu.memory_space<vmem>>, vector<16xi32>,
        %parallel_loop3A_388 = arith.constant 0 : i32
        %parallel_loop3A_389 = vector.broadcast %parallel_loop3A_388 : i32 to vector<16xi32>
        %parallel_loop3A_390 = arith.addi %parallel_loop3A_387, %parallel_loop3A_389 : vector<16xi32>
        %parallel_loop3A_391 = tpu.vector_load_idx %arg5[%parallel_loop3A_390] : memref<3072xf32, #tpu.memory_space<vmem>>[vector<16xi32>], vector<16xf32>,
        %parallel_loop3A_392 = arith.constant 1024 : i32
        %parallel_loop3A_393 = vector.broadcast %parallel_loop3A_392 : i32 to vector<16xi32>
        %parallel_loop3A_394 = arith.addi %parallel_loop3A_387, %parallel_loop3A_393 : vector<16xi32>
        %parallel_loop3A_395 = tpu.vector_load_idx %arg5[%parallel_loop3A_394] : memref<3072xf32, #tpu.memory_space<vmem>>[vector<16xi32>], vector<16xf32>,
        %parallel_loop3A_396 = arith.constant 2048 : i32
        %parallel_loop3A_397 = vector.broadcast %parallel_loop3A_396 : i32 to vector<16xi32>
        %parallel_loop3A_398 = arith.addi %parallel_loop3A_387, %parallel_loop3A_397 : vector<16xi32>
        %parallel_loop3A_399 = tpu.vector_load_idx %arg5[%parallel_loop3A_398] : memref<3072xf32, #tpu.memory_space<vmem>>[vector<16xi32>], vector<16xf32>,
        %parallel_loop3A_400 = arith.constant 0 : i32
        %parallel_loop3A_401 = arith.index_cast %scan3A_83 : i32 to index
        %parallel_loop3A_402 = arith.index_cast %parallel_loop3A_400 : i32 to index
        %parallel_loop3A_403 = arith.index_cast %parallel_loop3A_145 : i32 to index
        %parallel_loop3A_404 = arith.constant 112 : index
        %parallel_loop3A_405 = tpu.vector_load %arg7[%parallel_loop3A_401, %parallel_loop3A_402, %parallel_loop3A_403, %parallel_loop3A_404] {strides = array<i32>} : memref<2x3x32x384xf32, #tpu.memory_space<vmem>>, vector<16xf32>,
        tpu.vector_store %arg7[%parallel_loop3A_401, %parallel_loop3A_402, %parallel_loop3A_403, %parallel_loop3A_404], %parallel_loop3A_391 {strides = array<i32>} : memref<2x3x32x384xf32, #tpu.memory_space<vmem>>, vector<16xf32>,
        %parallel_loop3A_406 = arith.constant 1 : i32
        %parallel_loop3A_407 = arith.index_cast %scan3A_83 : i32 to index
        %parallel_loop3A_408 = arith.index_cast %parallel_loop3A_406 : i32 to index
        %parallel_loop3A_409 = arith.index_cast %parallel_loop3A_145 : i32 to index
        %parallel_loop3A_410 = arith.constant 112 : index
        %parallel_loop3A_411 = tpu.vector_load %arg7[%parallel_loop3A_407, %parallel_loop3A_408, %parallel_loop3A_409, %parallel_loop3A_410] {strides = array<i32>} : memref<2x3x32x384xf32, #tpu.memory_space<vmem>>, vector<16xf32>,
        tpu.vector_store %arg7[%parallel_loop3A_407, %parallel_loop3A_408, %parallel_loop3A_409, %parallel_loop3A_410], %parallel_loop3A_395 {strides = array<i32>} : memref<2x3x32x384xf32, #tpu.memory_space<vmem>>, vector<16xf32>,
        %parallel_loop3A_412 = arith.constant 2 : i32
        %parallel_loop3A_413 = arith.index_cast %scan3A_83 : i32 to index
        %parallel_loop3A_414 = arith.index_cast %parallel_loop3A_412 : i32 to index
        %parallel_loop3A_415 = arith.index_cast %parallel_loop3A_145 : i32 to index
        %parallel_loop3A_416 = arith.constant 112 : index
        %parallel_loop3A_417 = tpu.vector_load %arg7[%parallel_loop3A_413, %parallel_loop3A_414, %parallel_loop3A_415, %parallel_loop3A_416] {strides = array<i32>} : memref<2x3x32x384xf32, #tpu.memory_space<vmem>>, vector<16xf32>,
        tpu.vector_store %arg7[%parallel_loop3A_413, %parallel_loop3A_414, %parallel_loop3A_415, %parallel_loop3A_416], %parallel_loop3A_399 {strides = array<i32>} : memref<2x3x32x384xf32, #tpu.memory_space<vmem>>, vector<16xf32>,
        %parallel_loop3A_418 = arith.index_cast %scan3A_83 : i32 to index
        %parallel_loop3A_419 = arith.index_cast %parallel_loop3A_145 : i32 to index
        %parallel_loop3A_420 = arith.constant 128 : index
        %parallel_loop3A_421 = tpu.vector_load %arg6[%parallel_loop3A_418, %parallel_loop3A_419, %parallel_loop3A_420] {strides = array<i32>} : memref<2x32x384xi32, #tpu.memory_space<vmem>>, vector<16xi32>,
        %parallel_loop3A_422 = arith.constant 0 : i32
        %parallel_loop3A_423 = vector.broadcast %parallel_loop3A_422 : i32 to vector<16xi32>
        %parallel_loop3A_424 = arith.addi %parallel_loop3A_421, %parallel_loop3A_423 : vector<16xi32>
        %parallel_loop3A_425 = tpu.vector_load_idx %arg5[%parallel_loop3A_424] : memref<3072xf32, #tpu.memory_space<vmem>>[vector<16xi32>], vector<16xf32>,
        %parallel_loop3A_426 = arith.constant 1024 : i32
        %parallel_loop3A_427 = vector.broadcast %parallel_loop3A_426 : i32 to vector<16xi32>
        %parallel_loop3A_428 = arith.addi %parallel_loop3A_421, %parallel_loop3A_427 : vector<16xi32>
        %parallel_loop3A_429 = tpu.vector_load_idx %arg5[%parallel_loop3A_428] : memref<3072xf32, #tpu.memory_space<vmem>>[vector<16xi32>], vector<16xf32>,
        %parallel_loop3A_430 = arith.constant 2048 : i32
        %parallel_loop3A_431 = vector.broadcast %parallel_loop3A_430 : i32 to vector<16xi32>
        %parallel_loop3A_432 = arith.addi %parallel_loop3A_421, %parallel_loop3A_431 : vector<16xi32>
        %parallel_loop3A_433 = tpu.vector_load_idx %arg5[%parallel_loop3A_432] : memref<3072xf32, #tpu.memory_space<vmem>>[vector<16xi32>], vector<16xf32>,
        %parallel_loop3A_434 = arith.constant 0 : i32
        %parallel_loop3A_435 = arith.index_cast %scan3A_83 : i32 to index
        %parallel_loop3A_436 = arith.index_cast %parallel_loop3A_434 : i32 to index
        %parallel_loop3A_437 = arith.index_cast %parallel_loop3A_145 : i32 to index
        %parallel_loop3A_438 = arith.constant 128 : index
        %parallel_loop3A_439 = tpu.vector_load %arg7[%parallel_loop3A_435, %parallel_loop3A_436, %parallel_loop3A_437, %parallel_loop3A_438] {strides = array<i32>} : memref<2x3x32x384xf32, #tpu.memory_space<vmem>>, vector<16xf32>,
        tpu.vector_store %arg7[%parallel_loop3A_435, %parallel_loop3A_436, %parallel_loop3A_437, %parallel_loop3A_438], %parallel_loop3A_425 {strides = array<i32>} : memref<2x3x32x384xf32, #tpu.memory_space<vmem>>, vector<16xf32>,
        %parallel_loop3A_440 = arith.constant 1 : i32
        %parallel_loop3A_441 = arith.index_cast %scan3A_83 : i32 to index
        %parallel_loop3A_442 = arith.index_cast %parallel_loop3A_440 : i32 to index
        %parallel_loop3A_443 = arith.index_cast %parallel_loop3A_145 : i32 to index
        %parallel_loop3A_444 = arith.constant 128 : index
        %parallel_loop3A_445 = tpu.vector_load %arg7[%parallel_loop3A_441, %parallel_loop3A_442, %parallel_loop3A_443, %parallel_loop3A_444] {strides = array<i32>} : memref<2x3x32x384xf32, #tpu.memory_space<vmem>>, vector<16xf32>,
        tpu.vector_store %arg7[%parallel_loop3A_441, %parallel_loop3A_442, %parallel_loop3A_443, %parallel_loop3A_444], %parallel_loop3A_429 {strides = array<i32>} : memref<2x3x32x384xf32, #tpu.memory_space<vmem>>, vector<16xf32>,
        %parallel_loop3A_446 = arith.constant 2 : i32
        %parallel_loop3A_447 = arith.index_cast %scan3A_83 : i32 to index
        %parallel_loop3A_448 = arith.index_cast %parallel_loop3A_446 : i32 to index
        %parallel_loop3A_449 = arith.index_cast %parallel_loop3A_145 : i32 to index
        %parallel_loop3A_450 = arith.constant 128 : index
        %parallel_loop3A_451 = tpu.vector_load %arg7[%parallel_loop3A_447, %parallel_loop3A_448, %parallel_loop3A_449, %parallel_loop3A_450] {strides = array<i32>} : memref<2x3x32x384xf32, #tpu.memory_space<vmem>>, vector<16xf32>,
        tpu.vector_store %arg7[%parallel_loop3A_447, %parallel_loop3A_448, %parallel_loop3A_449, %parallel_loop3A_450], %parallel_loop3A_433 {strides = array<i32>} : memref<2x3x32x384xf32, #tpu.memory_space<vmem>>, vector<16xf32>,
        %parallel_loop3A_452 = arith.index_cast %scan3A_83 : i32 to index
        %parallel_loop3A_453 = arith.index_cast %parallel_loop3A_145 : i32 to index
        %parallel_loop3A_454 = arith.constant 144 : index
        %parallel_loop3A_455 = tpu.vector_load %arg6[%parallel_loop3A_452, %parallel_loop3A_453, %parallel_loop3A_454] {strides = array<i32>} : memref<2x32x384xi32, #tpu.memory_space<vmem>>, vector<16xi32>,
        %parallel_loop3A_456 = arith.constant 0 : i32
        %parallel_loop3A_457 = vector.broadcast %parallel_loop3A_456 : i32 to vector<16xi32>
        %parallel_loop3A_458 = arith.addi %parallel_loop3A_455, %parallel_loop3A_457 : vector<16xi32>
        %parallel_loop3A_459 = tpu.vector_load_idx %arg5[%parallel_loop3A_458] : memref<3072xf32, #tpu.memory_space<vmem>>[vector<16xi32>], vector<16xf32>,
        %parallel_loop3A_460 = arith.constant 1024 : i32
        %parallel_loop3A_461 = vector.broadcast %parallel_loop3A_460 : i32 to vector<16xi32>
        %parallel_loop3A_462 = arith.addi %parallel_loop3A_455, %parallel_loop3A_461 : vector<16xi32>
        %parallel_loop3A_463 = tpu.vector_load_idx %arg5[%parallel_loop3A_462] : memref<3072xf32, #tpu.memory_space<vmem>>[vector<16xi32>], vector<16xf32>,
        %parallel_loop3A_464 = arith.constant 2048 : i32
        %parallel_loop3A_465 = vector.broadcast %parallel_loop3A_464 : i32 to vector<16xi32>
        %parallel_loop3A_466 = arith.addi %parallel_loop3A_455, %parallel_loop3A_465 : vector<16xi32>
        %parallel_loop3A_467 = tpu.vector_load_idx %arg5[%parallel_loop3A_466] : memref<3072xf32, #tpu.memory_space<vmem>>[vector<16xi32>], vector<16xf32>,
        %parallel_loop3A_468 = arith.constant 0 : i32
        %parallel_loop3A_469 = arith.index_cast %scan3A_83 : i32 to index
        %parallel_loop3A_470 = arith.index_cast %parallel_loop3A_468 : i32 to index
        %parallel_loop3A_471 = arith.index_cast %parallel_loop3A_145 : i32 to index
        %parallel_loop3A_472 = arith.constant 144 : index
        %parallel_loop3A_473 = tpu.vector_load %arg7[%parallel_loop3A_469, %parallel_loop3A_470, %parallel_loop3A_471, %parallel_loop3A_472] {strides = array<i32>} : memref<2x3x32x384xf32, #tpu.memory_space<vmem>>, vector<16xf32>,
        tpu.vector_store %arg7[%parallel_loop3A_469, %parallel_loop3A_470, %parallel_loop3A_471, %parallel_loop3A_472], %parallel_loop3A_459 {strides = array<i32>} : memref<2x3x32x384xf32, #tpu.memory_space<vmem>>, vector<16xf32>,
        %parallel_loop3A_474 = arith.constant 1 : i32
        %parallel_loop3A_475 = arith.index_cast %scan3A_83 : i32 to index
        %parallel_loop3A_476 = arith.index_cast %parallel_loop3A_474 : i32 to index
        %parallel_loop3A_477 = arith.index_cast %parallel_loop3A_145 : i32 to index
        %parallel_loop3A_478 = arith.constant 144 : index
        %parallel_loop3A_479 = tpu.vector_load %arg7[%parallel_loop3A_475, %parallel_loop3A_476, %parallel_loop3A_477, %parallel_loop3A_478] {strides = array<i32>} : memref<2x3x32x384xf32, #tpu.memory_space<vmem>>, vector<16xf32>,
        tpu.vector_store %arg7[%parallel_loop3A_475, %parallel_loop3A_476, %parallel_loop3A_477, %parallel_loop3A_478], %parallel_loop3A_463 {strides = array<i32>} : memref<2x3x32x384xf32, #tpu.memory_space<vmem>>, vector<16xf32>,
        %parallel_loop3A_480 = arith.constant 2 : i32
        %parallel_loop3A_481 = arith.index_cast %scan3A_83 : i32 to index
        %parallel_loop3A_482 = arith.index_cast %parallel_loop3A_480 : i32 to index
        %parallel_loop3A_483 = arith.index_cast %parallel_loop3A_145 : i32 to index
        %parallel_loop3A_484 = arith.constant 144 : index
        %parallel_loop3A_485 = tpu.vector_load %arg7[%parallel_loop3A_481, %parallel_loop3A_482, %parallel_loop3A_483, %parallel_loop3A_484] {strides = array<i32>} : memref<2x3x32x384xf32, #tpu.memory_space<vmem>>, vector<16xf32>,
        tpu.vector_store %arg7[%parallel_loop3A_481, %parallel_loop3A_482, %parallel_loop3A_483, %parallel_loop3A_484], %parallel_loop3A_467 {strides = array<i32>} : memref<2x3x32x384xf32, #tpu.memory_space<vmem>>, vector<16xf32>,
        %parallel_loop3A_486 = arith.index_cast %scan3A_83 : i32 to index
        %parallel_loop3A_487 = arith.index_cast %parallel_loop3A_145 : i32 to index
        %parallel_loop3A_488 = arith.constant 160 : index
        %parallel_loop3A_489 = tpu.vector_load %arg6[%parallel_loop3A_486, %parallel_loop3A_487, %parallel_loop3A_488] {strides = array<i32>} : memref<2x32x384xi32, #tpu.memory_space<vmem>>, vector<16xi32>,
        %parallel_loop3A_490 = arith.constant 0 : i32
        %parallel_loop3A_491 = vector.broadcast %parallel_loop3A_490 : i32 to vector<16xi32>
        %parallel_loop3A_492 = arith.addi %parallel_loop3A_489, %parallel_loop3A_491 : vector<16xi32>
        %parallel_loop3A_493 = tpu.vector_load_idx %arg5[%parallel_loop3A_492] : memref<3072xf32, #tpu.memory_space<vmem>>[vector<16xi32>], vector<16xf32>,
        %parallel_loop3A_494 = arith.constant 1024 : i32
        %parallel_loop3A_495 = vector.broadcast %parallel_loop3A_494 : i32 to vector<16xi32>
        %parallel_loop3A_496 = arith.addi %parallel_loop3A_489, %parallel_loop3A_495 : vector<16xi32>
        %parallel_loop3A_497 = tpu.vector_load_idx %arg5[%parallel_loop3A_496] : memref<3072xf32, #tpu.memory_space<vmem>>[vector<16xi32>], vector<16xf32>,
        %parallel_loop3A_498 = arith.constant 2048 : i32
        %parallel_loop3A_499 = vector.broadcast %parallel_loop3A_498 : i32 to vector<16xi32>
        %parallel_loop3A_500 = arith.addi %parallel_loop3A_489, %parallel_loop3A_499 : vector<16xi32>
        %parallel_loop3A_501 = tpu.vector_load_idx %arg5[%parallel_loop3A_500] : memref<3072xf32, #tpu.memory_space<vmem>>[vector<16xi32>], vector<16xf32>,
        %parallel_loop3A_502 = arith.constant 0 : i32
        %parallel_loop3A_503 = arith.index_cast %scan3A_83 : i32 to index
        %parallel_loop3A_504 = arith.index_cast %parallel_loop3A_502 : i32 to index
        %parallel_loop3A_505 = arith.index_cast %parallel_loop3A_145 : i32 to index
        %parallel_loop3A_506 = arith.constant 160 : index
        %parallel_loop3A_507 = tpu.vector_load %arg7[%parallel_loop3A_503, %parallel_loop3A_504, %parallel_loop3A_505, %parallel_loop3A_506] {strides = array<i32>} : memref<2x3x32x384xf32, #tpu.memory_space<vmem>>, vector<16xf32>,
        tpu.vector_store %arg7[%parallel_loop3A_503, %parallel_loop3A_504, %parallel_loop3A_505, %parallel_loop3A_506], %parallel_loop3A_493 {strides = array<i32>} : memref<2x3x32x384xf32, #tpu.memory_space<vmem>>, vector<16xf32>,
        %parallel_loop3A_508 = arith.constant 1 : i32
        %parallel_loop3A_509 = arith.index_cast %scan3A_83 : i32 to index
        %parallel_loop3A_510 = arith.index_cast %parallel_loop3A_508 : i32 to index
        %parallel_loop3A_511 = arith.index_cast %parallel_loop3A_145 : i32 to index
        %parallel_loop3A_512 = arith.constant 160 : index
        %parallel_loop3A_513 = tpu.vector_load %arg7[%parallel_loop3A_509, %parallel_loop3A_510, %parallel_loop3A_511, %parallel_loop3A_512] {strides = array<i32>} : memref<2x3x32x384xf32, #tpu.memory_space<vmem>>, vector<16xf32>,
        tpu.vector_store %arg7[%parallel_loop3A_509, %parallel_loop3A_510, %parallel_loop3A_511, %parallel_loop3A_512], %parallel_loop3A_497 {strides = array<i32>} : memref<2x3x32x384xf32, #tpu.memory_space<vmem>>, vector<16xf32>,
        %parallel_loop3A_514 = arith.constant 2 : i32
        %parallel_loop3A_515 = arith.index_cast %scan3A_83 : i32 to index
        %parallel_loop3A_516 = arith.index_cast %parallel_loop3A_514 : i32 to index
        %parallel_loop3A_517 = arith.index_cast %parallel_loop3A_145 : i32 to index
        %parallel_loop3A_518 = arith.constant 160 : index
        %parallel_loop3A_519 = tpu.vector_load %arg7[%parallel_loop3A_515, %parallel_loop3A_516, %parallel_loop3A_517, %parallel_loop3A_518] {strides = array<i32>} : memref<2x3x32x384xf32, #tpu.memory_space<vmem>>, vector<16xf32>,
        tpu.vector_store %arg7[%parallel_loop3A_515, %parallel_loop3A_516, %parallel_loop3A_517, %parallel_loop3A_518], %parallel_loop3A_501 {strides = array<i32>} : memref<2x3x32x384xf32, #tpu.memory_space<vmem>>, vector<16xf32>,
        %parallel_loop3A_520 = arith.index_cast %scan3A_83 : i32 to index
        %parallel_loop3A_521 = arith.index_cast %parallel_loop3A_145 : i32 to index
        %parallel_loop3A_522 = arith.constant 176 : index
        %parallel_loop3A_523 = tpu.vector_load %arg6[%parallel_loop3A_520, %parallel_loop3A_521, %parallel_loop3A_522] {strides = array<i32>} : memref<2x32x384xi32, #tpu.memory_space<vmem>>, vector<16xi32>,
        %parallel_loop3A_524 = arith.constant 0 : i32
        %parallel_loop3A_525 = vector.broadcast %parallel_loop3A_524 : i32 to vector<16xi32>
        %parallel_loop3A_526 = arith.addi %parallel_loop3A_523, %parallel_loop3A_525 : vector<16xi32>
        %parallel_loop3A_527 = tpu.vector_load_idx %arg5[%parallel_loop3A_526] : memref<3072xf32, #tpu.memory_space<vmem>>[vector<16xi32>], vector<16xf32>,
        %parallel_loop3A_528 = arith.constant 1024 : i32
        %parallel_loop3A_529 = vector.broadcast %parallel_loop3A_528 : i32 to vector<16xi32>
        %parallel_loop3A_530 = arith.addi %parallel_loop3A_523, %parallel_loop3A_529 : vector<16xi32>
        %parallel_loop3A_531 = tpu.vector_load_idx %arg5[%parallel_loop3A_530] : memref<3072xf32, #tpu.memory_space<vmem>>[vector<16xi32>], vector<16xf32>,
        %parallel_loop3A_532 = arith.constant 2048 : i32
        %parallel_loop3A_533 = vector.broadcast %parallel_loop3A_532 : i32 to vector<16xi32>
        %parallel_loop3A_534 = arith.addi %parallel_loop3A_523, %parallel_loop3A_533 : vector<16xi32>
        %parallel_loop3A_535 = tpu.vector_load_idx %arg5[%parallel_loop3A_534] : memref<3072xf32, #tpu.memory_space<vmem>>[vector<16xi32>], vector<16xf32>,
        %parallel_loop3A_536 = arith.constant 0 : i32
        %parallel_loop3A_537 = arith.index_cast %scan3A_83 : i32 to index
        %parallel_loop3A_538 = arith.index_cast %parallel_loop3A_536 : i32 to index
        %parallel_loop3A_539 = arith.index_cast %parallel_loop3A_145 : i32 to index
        %parallel_loop3A_540 = arith.constant 176 : index
        %parallel_loop3A_541 = tpu.vector_load %arg7[%parallel_loop3A_537, %parallel_loop3A_538, %parallel_loop3A_539, %parallel_loop3A_540] {strides = array<i32>} : memref<2x3x32x384xf32, #tpu.memory_space<vmem>>, vector<16xf32>,
        tpu.vector_store %arg7[%parallel_loop3A_537, %parallel_loop3A_538, %parallel_loop3A_539, %parallel_loop3A_540], %parallel_loop3A_527 {strides = array<i32>} : memref<2x3x32x384xf32, #tpu.memory_space<vmem>>, vector<16xf32>,
        %parallel_loop3A_542 = arith.constant 1 : i32
        %parallel_loop3A_543 = arith.index_cast %scan3A_83 : i32 to index
        %parallel_loop3A_544 = arith.index_cast %parallel_loop3A_542 : i32 to index
        %parallel_loop3A_545 = arith.index_cast %parallel_loop3A_145 : i32 to index
        %parallel_loop3A_546 = arith.constant 176 : index
        %parallel_loop3A_547 = tpu.vector_load %arg7[%parallel_loop3A_543, %parallel_loop3A_544, %parallel_loop3A_545, %parallel_loop3A_546] {strides = array<i32>} : memref<2x3x32x384xf32, #tpu.memory_space<vmem>>, vector<16xf32>,
        tpu.vector_store %arg7[%parallel_loop3A_543, %parallel_loop3A_544, %parallel_loop3A_545, %parallel_loop3A_546], %parallel_loop3A_531 {strides = array<i32>} : memref<2x3x32x384xf32, #tpu.memory_space<vmem>>, vector<16xf32>,
        %parallel_loop3A_548 = arith.constant 2 : i32
        %parallel_loop3A_549 = arith.index_cast %scan3A_83 : i32 to index
        %parallel_loop3A_550 = arith.index_cast %parallel_loop3A_548 : i32 to index
        %parallel_loop3A_551 = arith.index_cast %parallel_loop3A_145 : i32 to index
        %parallel_loop3A_552 = arith.constant 176 : index
        %parallel_loop3A_553 = tpu.vector_load %arg7[%parallel_loop3A_549, %parallel_loop3A_550, %parallel_loop3A_551, %parallel_loop3A_552] {strides = array<i32>} : memref<2x3x32x384xf32, #tpu.memory_space<vmem>>, vector<16xf32>,
        tpu.vector_store %arg7[%parallel_loop3A_549, %parallel_loop3A_550, %parallel_loop3A_551, %parallel_loop3A_552], %parallel_loop3A_535 {strides = array<i32>} : memref<2x3x32x384xf32, #tpu.memory_space<vmem>>, vector<16xf32>,
        %parallel_loop3A_554 = arith.index_cast %scan3A_83 : i32 to index
        %parallel_loop3A_555 = arith.index_cast %parallel_loop3A_145 : i32 to index
        %parallel_loop3A_556 = arith.constant 192 : index
        %parallel_loop3A_557 = tpu.vector_load %arg6[%parallel_loop3A_554, %parallel_loop3A_555, %parallel_loop3A_556] {strides = array<i32>} : memref<2x32x384xi32, #tpu.memory_space<vmem>>, vector<16xi32>,
        %parallel_loop3A_558 = arith.constant 0 : i32
        %parallel_loop3A_559 = vector.broadcast %parallel_loop3A_558 : i32 to vector<16xi32>
        %parallel_loop3A_560 = arith.addi %parallel_loop3A_557, %parallel_loop3A_559 : vector<16xi32>
        %parallel_loop3A_561 = tpu.vector_load_idx %arg5[%parallel_loop3A_560] : memref<3072xf32, #tpu.memory_space<vmem>>[vector<16xi32>], vector<16xf32>,
        %parallel_loop3A_562 = arith.constant 1024 : i32
        %parallel_loop3A_563 = vector.broadcast %parallel_loop3A_562 : i32 to vector<16xi32>
        %parallel_loop3A_564 = arith.addi %parallel_loop3A_557, %parallel_loop3A_563 : vector<16xi32>
        %parallel_loop3A_565 = tpu.vector_load_idx %arg5[%parallel_loop3A_564] : memref<3072xf32, #tpu.memory_space<vmem>>[vector<16xi32>], vector<16xf32>,
        %parallel_loop3A_566 = arith.constant 2048 : i32
        %parallel_loop3A_567 = vector.broadcast %parallel_loop3A_566 : i32 to vector<16xi32>
        %parallel_loop3A_568 = arith.addi %parallel_loop3A_557, %parallel_loop3A_567 : vector<16xi32>
        %parallel_loop3A_569 = tpu.vector_load_idx %arg5[%parallel_loop3A_568] : memref<3072xf32, #tpu.memory_space<vmem>>[vector<16xi32>], vector<16xf32>,
        %parallel_loop3A_570 = arith.constant 0 : i32
        %parallel_loop3A_571 = arith.index_cast %scan3A_83 : i32 to index
        %parallel_loop3A_572 = arith.index_cast %parallel_loop3A_570 : i32 to index
        %parallel_loop3A_573 = arith.index_cast %parallel_loop3A_145 : i32 to index
        %parallel_loop3A_574 = arith.constant 192 : index
        %parallel_loop3A_575 = tpu.vector_load %arg7[%parallel_loop3A_571, %parallel_loop3A_572, %parallel_loop3A_573, %parallel_loop3A_574] {strides = array<i32>} : memref<2x3x32x384xf32, #tpu.memory_space<vmem>>, vector<16xf32>,
        tpu.vector_store %arg7[%parallel_loop3A_571, %parallel_loop3A_572, %parallel_loop3A_573, %parallel_loop3A_574], %parallel_loop3A_561 {strides = array<i32>} : memref<2x3x32x384xf32, #tpu.memory_space<vmem>>, vector<16xf32>,
        %parallel_loop3A_576 = arith.constant 1 : i32
        %parallel_loop3A_577 = arith.index_cast %scan3A_83 : i32 to index
        %parallel_loop3A_578 = arith.index_cast %parallel_loop3A_576 : i32 to index
        %parallel_loop3A_579 = arith.index_cast %parallel_loop3A_145 : i32 to index
        %parallel_loop3A_580 = arith.constant 192 : index
        %parallel_loop3A_581 = tpu.vector_load %arg7[%parallel_loop3A_577, %parallel_loop3A_578, %parallel_loop3A_579, %parallel_loop3A_580] {strides = array<i32>} : memref<2x3x32x384xf32, #tpu.memory_space<vmem>>, vector<16xf32>,
        tpu.vector_store %arg7[%parallel_loop3A_577, %parallel_loop3A_578, %parallel_loop3A_579, %parallel_loop3A_580], %parallel_loop3A_565 {strides = array<i32>} : memref<2x3x32x384xf32, #tpu.memory_space<vmem>>, vector<16xf32>,
        %parallel_loop3A_582 = arith.constant 2 : i32
        %parallel_loop3A_583 = arith.index_cast %scan3A_83 : i32 to index
        %parallel_loop3A_584 = arith.index_cast %parallel_loop3A_582 : i32 to index
        %parallel_loop3A_585 = arith.index_cast %parallel_loop3A_145 : i32 to index
        %parallel_loop3A_586 = arith.constant 192 : index
        %parallel_loop3A_587 = tpu.vector_load %arg7[%parallel_loop3A_583, %parallel_loop3A_584, %parallel_loop3A_585, %parallel_loop3A_586] {strides = array<i32>} : memref<2x3x32x384xf32, #tpu.memory_space<vmem>>, vector<16xf32>,
        tpu.vector_store %arg7[%parallel_loop3A_583, %parallel_loop3A_584, %parallel_loop3A_585, %parallel_loop3A_586], %parallel_loop3A_569 {strides = array<i32>} : memref<2x3x32x384xf32, #tpu.memory_space<vmem>>, vector<16xf32>,
        %parallel_loop3A_588 = arith.index_cast %scan3A_83 : i32 to index
        %parallel_loop3A_589 = arith.index_cast %parallel_loop3A_145 : i32 to index
        %parallel_loop3A_590 = arith.constant 208 : index
        %parallel_loop3A_591 = tpu.vector_load %arg6[%parallel_loop3A_588, %parallel_loop3A_589, %parallel_loop3A_590] {strides = array<i32>} : memref<2x32x384xi32, #tpu.memory_space<vmem>>, vector<16xi32>,
        %parallel_loop3A_592 = arith.constant 0 : i32
        %parallel_loop3A_593 = vector.broadcast %parallel_loop3A_592 : i32 to vector<16xi32>
        %parallel_loop3A_594 = arith.addi %parallel_loop3A_591, %parallel_loop3A_593 : vector<16xi32>
        %parallel_loop3A_595 = tpu.vector_load_idx %arg5[%parallel_loop3A_594] : memref<3072xf32, #tpu.memory_space<vmem>>[vector<16xi32>], vector<16xf32>,
        %parallel_loop3A_596 = arith.constant 1024 : i32
        %parallel_loop3A_597 = vector.broadcast %parallel_loop3A_596 : i32 to vector<16xi32>
        %parallel_loop3A_598 = arith.addi %parallel_loop3A_591, %parallel_loop3A_597 : vector<16xi32>
        %parallel_loop3A_599 = tpu.vector_load_idx %arg5[%parallel_loop3A_598] : memref<3072xf32, #tpu.memory_space<vmem>>[vector<16xi32>], vector<16xf32>,
        %parallel_loop3A_600 = arith.constant 2048 : i32
        %parallel_loop3A_601 = vector.broadcast %parallel_loop3A_600 : i32 to vector<16xi32>
        %parallel_loop3A_602 = arith.addi %parallel_loop3A_591, %parallel_loop3A_601 : vector<16xi32>
        %parallel_loop3A_603 = tpu.vector_load_idx %arg5[%parallel_loop3A_602] : memref<3072xf32, #tpu.memory_space<vmem>>[vector<16xi32>], vector<16xf32>,
        %parallel_loop3A_604 = arith.constant 0 : i32
        %parallel_loop3A_605 = arith.index_cast %scan3A_83 : i32 to index
        %parallel_loop3A_606 = arith.index_cast %parallel_loop3A_604 : i32 to index
        %parallel_loop3A_607 = arith.index_cast %parallel_loop3A_145 : i32 to index
        %parallel_loop3A_608 = arith.constant 208 : index
        %parallel_loop3A_609 = tpu.vector_load %arg7[%parallel_loop3A_605, %parallel_loop3A_606, %parallel_loop3A_607, %parallel_loop3A_608] {strides = array<i32>} : memref<2x3x32x384xf32, #tpu.memory_space<vmem>>, vector<16xf32>,
        tpu.vector_store %arg7[%parallel_loop3A_605, %parallel_loop3A_606, %parallel_loop3A_607, %parallel_loop3A_608], %parallel_loop3A_595 {strides = array<i32>} : memref<2x3x32x384xf32, #tpu.memory_space<vmem>>, vector<16xf32>,
        %parallel_loop3A_610 = arith.constant 1 : i32
        %parallel_loop3A_611 = arith.index_cast %scan3A_83 : i32 to index
        %parallel_loop3A_612 = arith.index_cast %parallel_loop3A_610 : i32 to index
        %parallel_loop3A_613 = arith.index_cast %parallel_loop3A_145 : i32 to index
        %parallel_loop3A_614 = arith.constant 208 : index
        %parallel_loop3A_615 = tpu.vector_load %arg7[%parallel_loop3A_611, %parallel_loop3A_612, %parallel_loop3A_613, %parallel_loop3A_614] {strides = array<i32>} : memref<2x3x32x384xf32, #tpu.memory_space<vmem>>, vector<16xf32>,
        tpu.vector_store %arg7[%parallel_loop3A_611, %parallel_loop3A_612, %parallel_loop3A_613, %parallel_loop3A_614], %parallel_loop3A_599 {strides = array<i32>} : memref<2x3x32x384xf32, #tpu.memory_space<vmem>>, vector<16xf32>,
        %parallel_loop3A_616 = arith.constant 2 : i32
        %parallel_loop3A_617 = arith.index_cast %scan3A_83 : i32 to index
        %parallel_loop3A_618 = arith.index_cast %parallel_loop3A_616 : i32 to index
        %parallel_loop3A_619 = arith.index_cast %parallel_loop3A_145 : i32 to index
        %parallel_loop3A_620 = arith.constant 208 : index
        %parallel_loop3A_621 = tpu.vector_load %arg7[%parallel_loop3A_617, %parallel_loop3A_618, %parallel_loop3A_619, %parallel_loop3A_620] {strides = array<i32>} : memref<2x3x32x384xf32, #tpu.memory_space<vmem>>, vector<16xf32>,
        tpu.vector_store %arg7[%parallel_loop3A_617, %parallel_loop3A_618, %parallel_loop3A_619, %parallel_loop3A_620], %parallel_loop3A_603 {strides = array<i32>} : memref<2x3x32x384xf32, #tpu.memory_space<vmem>>, vector<16xf32>,
        %parallel_loop3A_622 = arith.index_cast %scan3A_83 : i32 to index
        %parallel_loop3A_623 = arith.index_cast %parallel_loop3A_145 : i32 to index
        %parallel_loop3A_624 = arith.constant 224 : index
        %parallel_loop3A_625 = tpu.vector_load %arg6[%parallel_loop3A_622, %parallel_loop3A_623, %parallel_loop3A_624] {strides = array<i32>} : memref<2x32x384xi32, #tpu.memory_space<vmem>>, vector<16xi32>,
        %parallel_loop3A_626 = arith.constant 0 : i32
        %parallel_loop3A_627 = vector.broadcast %parallel_loop3A_626 : i32 to vector<16xi32>
        %parallel_loop3A_628 = arith.addi %parallel_loop3A_625, %parallel_loop3A_627 : vector<16xi32>
        %parallel_loop3A_629 = tpu.vector_load_idx %arg5[%parallel_loop3A_628] : memref<3072xf32, #tpu.memory_space<vmem>>[vector<16xi32>], vector<16xf32>,
        %parallel_loop3A_630 = arith.constant 1024 : i32
        %parallel_loop3A_631 = vector.broadcast %parallel_loop3A_630 : i32 to vector<16xi32>
        %parallel_loop3A_632 = arith.addi %parallel_loop3A_625, %parallel_loop3A_631 : vector<16xi32>
        %parallel_loop3A_633 = tpu.vector_load_idx %arg5[%parallel_loop3A_632] : memref<3072xf32, #tpu.memory_space<vmem>>[vector<16xi32>], vector<16xf32>,
        %parallel_loop3A_634 = arith.constant 2048 : i32
        %parallel_loop3A_635 = vector.broadcast %parallel_loop3A_634 : i32 to vector<16xi32>
        %parallel_loop3A_636 = arith.addi %parallel_loop3A_625, %parallel_loop3A_635 : vector<16xi32>
        %parallel_loop3A_637 = tpu.vector_load_idx %arg5[%parallel_loop3A_636] : memref<3072xf32, #tpu.memory_space<vmem>>[vector<16xi32>], vector<16xf32>,
        %parallel_loop3A_638 = arith.constant 0 : i32
        %parallel_loop3A_639 = arith.index_cast %scan3A_83 : i32 to index
        %parallel_loop3A_640 = arith.index_cast %parallel_loop3A_638 : i32 to index
        %parallel_loop3A_641 = arith.index_cast %parallel_loop3A_145 : i32 to index
        %parallel_loop3A_642 = arith.constant 224 : index
        %parallel_loop3A_643 = tpu.vector_load %arg7[%parallel_loop3A_639, %parallel_loop3A_640, %parallel_loop3A_641, %parallel_loop3A_642] {strides = array<i32>} : memref<2x3x32x384xf32, #tpu.memory_space<vmem>>, vector<16xf32>,
        tpu.vector_store %arg7[%parallel_loop3A_639, %parallel_loop3A_640, %parallel_loop3A_641, %parallel_loop3A_642], %parallel_loop3A_629 {strides = array<i32>} : memref<2x3x32x384xf32, #tpu.memory_space<vmem>>, vector<16xf32>,
        %parallel_loop3A_644 = arith.constant 1 : i32
        %parallel_loop3A_645 = arith.index_cast %scan3A_83 : i32 to index
        %parallel_loop3A_646 = arith.index_cast %parallel_loop3A_644 : i32 to index
        %parallel_loop3A_647 = arith.index_cast %parallel_loop3A_145 : i32 to index
        %parallel_loop3A_648 = arith.constant 224 : index
        %parallel_loop3A_649 = tpu.vector_load %arg7[%parallel_loop3A_645, %parallel_loop3A_646, %parallel_loop3A_647, %parallel_loop3A_648] {strides = array<i32>} : memref<2x3x32x384xf32, #tpu.memory_space<vmem>>, vector<16xf32>,
        tpu.vector_store %arg7[%parallel_loop3A_645, %parallel_loop3A_646, %parallel_loop3A_647, %parallel_loop3A_648], %parallel_loop3A_633 {strides = array<i32>} : memref<2x3x32x384xf32, #tpu.memory_space<vmem>>, vector<16xf32>,
        %parallel_loop3A_650 = arith.constant 2 : i32
        %parallel_loop3A_651 = arith.index_cast %scan3A_83 : i32 to index
        %parallel_loop3A_652 = arith.index_cast %parallel_loop3A_650 : i32 to index
        %parallel_loop3A_653 = arith.index_cast %parallel_loop3A_145 : i32 to index
        %parallel_loop3A_654 = arith.constant 224 : index
        %parallel_loop3A_655 = tpu.vector_load %arg7[%parallel_loop3A_651, %parallel_loop3A_652, %parallel_loop3A_653, %parallel_loop3A_654] {strides = array<i32>} : memref<2x3x32x384xf32, #tpu.memory_space<vmem>>, vector<16xf32>,
        tpu.vector_store %arg7[%parallel_loop3A_651, %parallel_loop3A_652, %parallel_loop3A_653, %parallel_loop3A_654], %parallel_loop3A_637 {strides = array<i32>} : memref<2x3x32x384xf32, #tpu.memory_space<vmem>>, vector<16xf32>,
        %parallel_loop3A_656 = arith.index_cast %scan3A_83 : i32 to index
        %parallel_loop3A_657 = arith.index_cast %parallel_loop3A_145 : i32 to index
        %parallel_loop3A_658 = arith.constant 240 : index
        %parallel_loop3A_659 = tpu.vector_load %arg6[%parallel_loop3A_656, %parallel_loop3A_657, %parallel_loop3A_658] {strides = array<i32>} : memref<2x32x384xi32, #tpu.memory_space<vmem>>, vector<16xi32>,
        %parallel_loop3A_660 = arith.constant 0 : i32
        %parallel_loop3A_661 = vector.broadcast %parallel_loop3A_660 : i32 to vector<16xi32>
        %parallel_loop3A_662 = arith.addi %parallel_loop3A_659, %parallel_loop3A_661 : vector<16xi32>
        %parallel_loop3A_663 = tpu.vector_load_idx %arg5[%parallel_loop3A_662] : memref<3072xf32, #tpu.memory_space<vmem>>[vector<16xi32>], vector<16xf32>,
        %parallel_loop3A_664 = arith.constant 1024 : i32
        %parallel_loop3A_665 = vector.broadcast %parallel_loop3A_664 : i32 to vector<16xi32>
        %parallel_loop3A_666 = arith.addi %parallel_loop3A_659, %parallel_loop3A_665 : vector<16xi32>
        %parallel_loop3A_667 = tpu.vector_load_idx %arg5[%parallel_loop3A_666] : memref<3072xf32, #tpu.memory_space<vmem>>[vector<16xi32>], vector<16xf32>,
        %parallel_loop3A_668 = arith.constant 2048 : i32
        %parallel_loop3A_669 = vector.broadcast %parallel_loop3A_668 : i32 to vector<16xi32>
        %parallel_loop3A_670 = arith.addi %parallel_loop3A_659, %parallel_loop3A_669 : vector<16xi32>
        %parallel_loop3A_671 = tpu.vector_load_idx %arg5[%parallel_loop3A_670] : memref<3072xf32, #tpu.memory_space<vmem>>[vector<16xi32>], vector<16xf32>,
        %parallel_loop3A_672 = arith.constant 0 : i32
        %parallel_loop3A_673 = arith.index_cast %scan3A_83 : i32 to index
        %parallel_loop3A_674 = arith.index_cast %parallel_loop3A_672 : i32 to index
        %parallel_loop3A_675 = arith.index_cast %parallel_loop3A_145 : i32 to index
        %parallel_loop3A_676 = arith.constant 240 : index
        %parallel_loop3A_677 = tpu.vector_load %arg7[%parallel_loop3A_673, %parallel_loop3A_674, %parallel_loop3A_675, %parallel_loop3A_676] {strides = array<i32>} : memref<2x3x32x384xf32, #tpu.memory_space<vmem>>, vector<16xf32>,
        tpu.vector_store %arg7[%parallel_loop3A_673, %parallel_loop3A_674, %parallel_loop3A_675, %parallel_loop3A_676], %parallel_loop3A_663 {strides = array<i32>} : memref<2x3x32x384xf32, #tpu.memory_space<vmem>>, vector<16xf32>,
        %parallel_loop3A_678 = arith.constant 1 : i32
        %parallel_loop3A_679 = arith.index_cast %scan3A_83 : i32 to index
        %parallel_loop3A_680 = arith.index_cast %parallel_loop3A_678 : i32 to index
        %parallel_loop3A_681 = arith.index_cast %parallel_loop3A_145 : i32 to index
        %parallel_loop3A_682 = arith.constant 240 : index
        %parallel_loop3A_683 = tpu.vector_load %arg7[%parallel_loop3A_679, %parallel_loop3A_680, %parallel_loop3A_681, %parallel_loop3A_682] {strides = array<i32>} : memref<2x3x32x384xf32, #tpu.memory_space<vmem>>, vector<16xf32>,
        tpu.vector_store %arg7[%parallel_loop3A_679, %parallel_loop3A_680, %parallel_loop3A_681, %parallel_loop3A_682], %parallel_loop3A_667 {strides = array<i32>} : memref<2x3x32x384xf32, #tpu.memory_space<vmem>>, vector<16xf32>,
        %parallel_loop3A_684 = arith.constant 2 : i32
        %parallel_loop3A_685 = arith.index_cast %scan3A_83 : i32 to index
        %parallel_loop3A_686 = arith.index_cast %parallel_loop3A_684 : i32 to index
        %parallel_loop3A_687 = arith.index_cast %parallel_loop3A_145 : i32 to index
        %parallel_loop3A_688 = arith.constant 240 : index
        %parallel_loop3A_689 = tpu.vector_load %arg7[%parallel_loop3A_685, %parallel_loop3A_686, %parallel_loop3A_687, %parallel_loop3A_688] {strides = array<i32>} : memref<2x3x32x384xf32, #tpu.memory_space<vmem>>, vector<16xf32>,
        tpu.vector_store %arg7[%parallel_loop3A_685, %parallel_loop3A_686, %parallel_loop3A_687, %parallel_loop3A_688], %parallel_loop3A_671 {strides = array<i32>} : memref<2x3x32x384xf32, #tpu.memory_space<vmem>>, vector<16xf32>,
        %parallel_loop3A_690 = arith.index_cast %scan3A_83 : i32 to index
        %parallel_loop3A_691 = arith.index_cast %parallel_loop3A_145 : i32 to index
        %parallel_loop3A_692 = arith.constant 256 : index
        %parallel_loop3A_693 = tpu.vector_load %arg6[%parallel_loop3A_690, %parallel_loop3A_691, %parallel_loop3A_692] {strides = array<i32>} : memref<2x32x384xi32, #tpu.memory_space<vmem>>, vector<16xi32>,
        %parallel_loop3A_694 = arith.constant 0 : i32
        %parallel_loop3A_695 = vector.broadcast %parallel_loop3A_694 : i32 to vector<16xi32>
        %parallel_loop3A_696 = arith.addi %parallel_loop3A_693, %parallel_loop3A_695 : vector<16xi32>
        %parallel_loop3A_697 = tpu.vector_load_idx %arg5[%parallel_loop3A_696] : memref<3072xf32, #tpu.memory_space<vmem>>[vector<16xi32>], vector<16xf32>,
        %parallel_loop3A_698 = arith.constant 1024 : i32
        %parallel_loop3A_699 = vector.broadcast %parallel_loop3A_698 : i32 to vector<16xi32>
        %parallel_loop3A_700 = arith.addi %parallel_loop3A_693, %parallel_loop3A_699 : vector<16xi32>
        %parallel_loop3A_701 = tpu.vector_load_idx %arg5[%parallel_loop3A_700] : memref<3072xf32, #tpu.memory_space<vmem>>[vector<16xi32>], vector<16xf32>,
        %parallel_loop3A_702 = arith.constant 2048 : i32
        %parallel_loop3A_703 = vector.broadcast %parallel_loop3A_702 : i32 to vector<16xi32>
        %parallel_loop3A_704 = arith.addi %parallel_loop3A_693, %parallel_loop3A_703 : vector<16xi32>
        %parallel_loop3A_705 = tpu.vector_load_idx %arg5[%parallel_loop3A_704] : memref<3072xf32, #tpu.memory_space<vmem>>[vector<16xi32>], vector<16xf32>,
        %parallel_loop3A_706 = arith.constant 0 : i32
        %parallel_loop3A_707 = arith.index_cast %scan3A_83 : i32 to index
        %parallel_loop3A_708 = arith.index_cast %parallel_loop3A_706 : i32 to index
        %parallel_loop3A_709 = arith.index_cast %parallel_loop3A_145 : i32 to index
        %parallel_loop3A_710 = arith.constant 256 : index
        %parallel_loop3A_711 = tpu.vector_load %arg7[%parallel_loop3A_707, %parallel_loop3A_708, %parallel_loop3A_709, %parallel_loop3A_710] {strides = array<i32>} : memref<2x3x32x384xf32, #tpu.memory_space<vmem>>, vector<16xf32>,
        tpu.vector_store %arg7[%parallel_loop3A_707, %parallel_loop3A_708, %parallel_loop3A_709, %parallel_loop3A_710], %parallel_loop3A_697 {strides = array<i32>} : memref<2x3x32x384xf32, #tpu.memory_space<vmem>>, vector<16xf32>,
        %parallel_loop3A_712 = arith.constant 1 : i32
        %parallel_loop3A_713 = arith.index_cast %scan3A_83 : i32 to index
        %parallel_loop3A_714 = arith.index_cast %parallel_loop3A_712 : i32 to index
        %parallel_loop3A_715 = arith.index_cast %parallel_loop3A_145 : i32 to index
        %parallel_loop3A_716 = arith.constant 256 : index
        %parallel_loop3A_717 = tpu.vector_load %arg7[%parallel_loop3A_713, %parallel_loop3A_714, %parallel_loop3A_715, %parallel_loop3A_716] {strides = array<i32>} : memref<2x3x32x384xf32, #tpu.memory_space<vmem>>, vector<16xf32>,
        tpu.vector_store %arg7[%parallel_loop3A_713, %parallel_loop3A_714, %parallel_loop3A_715, %parallel_loop3A_716], %parallel_loop3A_701 {strides = array<i32>} : memref<2x3x32x384xf32, #tpu.memory_space<vmem>>, vector<16xf32>,
        %parallel_loop3A_718 = arith.constant 2 : i32
        %parallel_loop3A_719 = arith.index_cast %scan3A_83 : i32 to index
        %parallel_loop3A_720 = arith.index_cast %parallel_loop3A_718 : i32 to index
        %parallel_loop3A_721 = arith.index_cast %parallel_loop3A_145 : i32 to index
        %parallel_loop3A_722 = arith.constant 256 : index
        %parallel_loop3A_723 = tpu.vector_load %arg7[%parallel_loop3A_719, %parallel_loop3A_720, %parallel_loop3A_721, %parallel_loop3A_722] {strides = array<i32>} : memref<2x3x32x384xf32, #tpu.memory_space<vmem>>, vector<16xf32>,
        tpu.vector_store %arg7[%parallel_loop3A_719, %parallel_loop3A_720, %parallel_loop3A_721, %parallel_loop3A_722], %parallel_loop3A_705 {strides = array<i32>} : memref<2x3x32x384xf32, #tpu.memory_space<vmem>>, vector<16xf32>,
        %parallel_loop3A_724 = arith.index_cast %scan3A_83 : i32 to index
        %parallel_loop3A_725 = arith.index_cast %parallel_loop3A_145 : i32 to index
        %parallel_loop3A_726 = arith.constant 272 : index
        %parallel_loop3A_727 = tpu.vector_load %arg6[%parallel_loop3A_724, %parallel_loop3A_725, %parallel_loop3A_726] {strides = array<i32>} : memref<2x32x384xi32, #tpu.memory_space<vmem>>, vector<16xi32>,
        %parallel_loop3A_728 = arith.constant 0 : i32
        %parallel_loop3A_729 = vector.broadcast %parallel_loop3A_728 : i32 to vector<16xi32>
        %parallel_loop3A_730 = arith.addi %parallel_loop3A_727, %parallel_loop3A_729 : vector<16xi32>
        %parallel_loop3A_731 = tpu.vector_load_idx %arg5[%parallel_loop3A_730] : memref<3072xf32, #tpu.memory_space<vmem>>[vector<16xi32>], vector<16xf32>,
        %parallel_loop3A_732 = arith.constant 1024 : i32
        %parallel_loop3A_733 = vector.broadcast %parallel_loop3A_732 : i32 to vector<16xi32>
        %parallel_loop3A_734 = arith.addi %parallel_loop3A_727, %parallel_loop3A_733 : vector<16xi32>
        %parallel_loop3A_735 = tpu.vector_load_idx %arg5[%parallel_loop3A_734] : memref<3072xf32, #tpu.memory_space<vmem>>[vector<16xi32>], vector<16xf32>,
        %parallel_loop3A_736 = arith.constant 2048 : i32
        %parallel_loop3A_737 = vector.broadcast %parallel_loop3A_736 : i32 to vector<16xi32>
        %parallel_loop3A_738 = arith.addi %parallel_loop3A_727, %parallel_loop3A_737 : vector<16xi32>
        %parallel_loop3A_739 = tpu.vector_load_idx %arg5[%parallel_loop3A_738] : memref<3072xf32, #tpu.memory_space<vmem>>[vector<16xi32>], vector<16xf32>,
        %parallel_loop3A_740 = arith.constant 0 : i32
        %parallel_loop3A_741 = arith.index_cast %scan3A_83 : i32 to index
        %parallel_loop3A_742 = arith.index_cast %parallel_loop3A_740 : i32 to index
        %parallel_loop3A_743 = arith.index_cast %parallel_loop3A_145 : i32 to index
        %parallel_loop3A_744 = arith.constant 272 : index
        %parallel_loop3A_745 = tpu.vector_load %arg7[%parallel_loop3A_741, %parallel_loop3A_742, %parallel_loop3A_743, %parallel_loop3A_744] {strides = array<i32>} : memref<2x3x32x384xf32, #tpu.memory_space<vmem>>, vector<16xf32>,
        tpu.vector_store %arg7[%parallel_loop3A_741, %parallel_loop3A_742, %parallel_loop3A_743, %parallel_loop3A_744], %parallel_loop3A_731 {strides = array<i32>} : memref<2x3x32x384xf32, #tpu.memory_space<vmem>>, vector<16xf32>,
        %parallel_loop3A_746 = arith.constant 1 : i32
        %parallel_loop3A_747 = arith.index_cast %scan3A_83 : i32 to index
        %parallel_loop3A_748 = arith.index_cast %parallel_loop3A_746 : i32 to index
        %parallel_loop3A_749 = arith.index_cast %parallel_loop3A_145 : i32 to index
        %parallel_loop3A_750 = arith.constant 272 : index
        %parallel_loop3A_751 = tpu.vector_load %arg7[%parallel_loop3A_747, %parallel_loop3A_748, %parallel_loop3A_749, %parallel_loop3A_750] {strides = array<i32>} : memref<2x3x32x384xf32, #tpu.memory_space<vmem>>, vector<16xf32>,
        tpu.vector_store %arg7[%parallel_loop3A_747, %parallel_loop3A_748, %parallel_loop3A_749, %parallel_loop3A_750], %parallel_loop3A_735 {strides = array<i32>} : memref<2x3x32x384xf32, #tpu.memory_space<vmem>>, vector<16xf32>,
        %parallel_loop3A_752 = arith.constant 2 : i32
        %parallel_loop3A_753 = arith.index_cast %scan3A_83 : i32 to index
        %parallel_loop3A_754 = arith.index_cast %parallel_loop3A_752 : i32 to index
        %parallel_loop3A_755 = arith.index_cast %parallel_loop3A_145 : i32 to index
        %parallel_loop3A_756 = arith.constant 272 : index
        %parallel_loop3A_757 = tpu.vector_load %arg7[%parallel_loop3A_753, %parallel_loop3A_754, %parallel_loop3A_755, %parallel_loop3A_756] {strides = array<i32>} : memref<2x3x32x384xf32, #tpu.memory_space<vmem>>, vector<16xf32>,
        tpu.vector_store %arg7[%parallel_loop3A_753, %parallel_loop3A_754, %parallel_loop3A_755, %parallel_loop3A_756], %parallel_loop3A_739 {strides = array<i32>} : memref<2x3x32x384xf32, #tpu.memory_space<vmem>>, vector<16xf32>,
        %parallel_loop3A_758 = arith.index_cast %scan3A_83 : i32 to index
        %parallel_loop3A_759 = arith.index_cast %parallel_loop3A_145 : i32 to index
        %parallel_loop3A_760 = arith.constant 288 : index
        %parallel_loop3A_761 = tpu.vector_load %arg6[%parallel_loop3A_758, %parallel_loop3A_759, %parallel_loop3A_760] {strides = array<i32>} : memref<2x32x384xi32, #tpu.memory_space<vmem>>, vector<16xi32>,
        %parallel_loop3A_762 = arith.constant 0 : i32
        %parallel_loop3A_763 = vector.broadcast %parallel_loop3A_762 : i32 to vector<16xi32>
        %parallel_loop3A_764 = arith.addi %parallel_loop3A_761, %parallel_loop3A_763 : vector<16xi32>
        %parallel_loop3A_765 = tpu.vector_load_idx %arg5[%parallel_loop3A_764] : memref<3072xf32, #tpu.memory_space<vmem>>[vector<16xi32>], vector<16xf32>,
        %parallel_loop3A_766 = arith.constant 1024 : i32
        %parallel_loop3A_767 = vector.broadcast %parallel_loop3A_766 : i32 to vector<16xi32>
        %parallel_loop3A_768 = arith.addi %parallel_loop3A_761, %parallel_loop3A_767 : vector<16xi32>
        %parallel_loop3A_769 = tpu.vector_load_idx %arg5[%parallel_loop3A_768] : memref<3072xf32, #tpu.memory_space<vmem>>[vector<16xi32>], vector<16xf32>,
        %parallel_loop3A_770 = arith.constant 2048 : i32
        %parallel_loop3A_771 = vector.broadcast %parallel_loop3A_770 : i32 to vector<16xi32>
        %parallel_loop3A_772 = arith.addi %parallel_loop3A_761, %parallel_loop3A_771 : vector<16xi32>
        %parallel_loop3A_773 = tpu.vector_load_idx %arg5[%parallel_loop3A_772] : memref<3072xf32, #tpu.memory_space<vmem>>[vector<16xi32>], vector<16xf32>,
        %parallel_loop3A_774 = arith.constant 0 : i32
        %parallel_loop3A_775 = arith.index_cast %scan3A_83 : i32 to index
        %parallel_loop3A_776 = arith.index_cast %parallel_loop3A_774 : i32 to index
        %parallel_loop3A_777 = arith.index_cast %parallel_loop3A_145 : i32 to index
        %parallel_loop3A_778 = arith.constant 288 : index
        %parallel_loop3A_779 = tpu.vector_load %arg7[%parallel_loop3A_775, %parallel_loop3A_776, %parallel_loop3A_777, %parallel_loop3A_778] {strides = array<i32>} : memref<2x3x32x384xf32, #tpu.memory_space<vmem>>, vector<16xf32>,
        tpu.vector_store %arg7[%parallel_loop3A_775, %parallel_loop3A_776, %parallel_loop3A_777, %parallel_loop3A_778], %parallel_loop3A_765 {strides = array<i32>} : memref<2x3x32x384xf32, #tpu.memory_space<vmem>>, vector<16xf32>,
        %parallel_loop3A_780 = arith.constant 1 : i32
        %parallel_loop3A_781 = arith.index_cast %scan3A_83 : i32 to index
        %parallel_loop3A_782 = arith.index_cast %parallel_loop3A_780 : i32 to index
        %parallel_loop3A_783 = arith.index_cast %parallel_loop3A_145 : i32 to index
        %parallel_loop3A_784 = arith.constant 288 : index
        %parallel_loop3A_785 = tpu.vector_load %arg7[%parallel_loop3A_781, %parallel_loop3A_782, %parallel_loop3A_783, %parallel_loop3A_784] {strides = array<i32>} : memref<2x3x32x384xf32, #tpu.memory_space<vmem>>, vector<16xf32>,
        tpu.vector_store %arg7[%parallel_loop3A_781, %parallel_loop3A_782, %parallel_loop3A_783, %parallel_loop3A_784], %parallel_loop3A_769 {strides = array<i32>} : memref<2x3x32x384xf32, #tpu.memory_space<vmem>>, vector<16xf32>,
        %parallel_loop3A_786 = arith.constant 2 : i32
        %parallel_loop3A_787 = arith.index_cast %scan3A_83 : i32 to index
        %parallel_loop3A_788 = arith.index_cast %parallel_loop3A_786 : i32 to index
        %parallel_loop3A_789 = arith.index_cast %parallel_loop3A_145 : i32 to index
        %parallel_loop3A_790 = arith.constant 288 : index
        %parallel_loop3A_791 = tpu.vector_load %arg7[%parallel_loop3A_787, %parallel_loop3A_788, %parallel_loop3A_789, %parallel_loop3A_790] {strides = array<i32>} : memref<2x3x32x384xf32, #tpu.memory_space<vmem>>, vector<16xf32>,
        tpu.vector_store %arg7[%parallel_loop3A_787, %parallel_loop3A_788, %parallel_loop3A_789, %parallel_loop3A_790], %parallel_loop3A_773 {strides = array<i32>} : memref<2x3x32x384xf32, #tpu.memory_space<vmem>>, vector<16xf32>,
        %parallel_loop3A_792 = arith.index_cast %scan3A_83 : i32 to index
        %parallel_loop3A_793 = arith.index_cast %parallel_loop3A_145 : i32 to index
        %parallel_loop3A_794 = arith.constant 304 : index
        %parallel_loop3A_795 = tpu.vector_load %arg6[%parallel_loop3A_792, %parallel_loop3A_793, %parallel_loop3A_794] {strides = array<i32>} : memref<2x32x384xi32, #tpu.memory_space<vmem>>, vector<16xi32>,
        %parallel_loop3A_796 = arith.constant 0 : i32
        %parallel_loop3A_797 = vector.broadcast %parallel_loop3A_796 : i32 to vector<16xi32>
        %parallel_loop3A_798 = arith.addi %parallel_loop3A_795, %parallel_loop3A_797 : vector<16xi32>
        %parallel_loop3A_799 = tpu.vector_load_idx %arg5[%parallel_loop3A_798] : memref<3072xf32, #tpu.memory_space<vmem>>[vector<16xi32>], vector<16xf32>,
        %parallel_loop3A_800 = arith.constant 1024 : i32
        %parallel_loop3A_801 = vector.broadcast %parallel_loop3A_800 : i32 to vector<16xi32>
        %parallel_loop3A_802 = arith.addi %parallel_loop3A_795, %parallel_loop3A_801 : vector<16xi32>
        %parallel_loop3A_803 = tpu.vector_load_idx %arg5[%parallel_loop3A_802] : memref<3072xf32, #tpu.memory_space<vmem>>[vector<16xi32>], vector<16xf32>,
        %parallel_loop3A_804 = arith.constant 2048 : i32
        %parallel_loop3A_805 = vector.broadcast %parallel_loop3A_804 : i32 to vector<16xi32>
        %parallel_loop3A_806 = arith.addi %parallel_loop3A_795, %parallel_loop3A_805 : vector<16xi32>
        %parallel_loop3A_807 = tpu.vector_load_idx %arg5[%parallel_loop3A_806] : memref<3072xf32, #tpu.memory_space<vmem>>[vector<16xi32>], vector<16xf32>,
        %parallel_loop3A_808 = arith.constant 0 : i32
        %parallel_loop3A_809 = arith.index_cast %scan3A_83 : i32 to index
        %parallel_loop3A_810 = arith.index_cast %parallel_loop3A_808 : i32 to index
        %parallel_loop3A_811 = arith.index_cast %parallel_loop3A_145 : i32 to index
        %parallel_loop3A_812 = arith.constant 304 : index
        %parallel_loop3A_813 = tpu.vector_load %arg7[%parallel_loop3A_809, %parallel_loop3A_810, %parallel_loop3A_811, %parallel_loop3A_812] {strides = array<i32>} : memref<2x3x32x384xf32, #tpu.memory_space<vmem>>, vector<16xf32>,
        tpu.vector_store %arg7[%parallel_loop3A_809, %parallel_loop3A_810, %parallel_loop3A_811, %parallel_loop3A_812], %parallel_loop3A_799 {strides = array<i32>} : memref<2x3x32x384xf32, #tpu.memory_space<vmem>>, vector<16xf32>,
        %parallel_loop3A_814 = arith.constant 1 : i32
        %parallel_loop3A_815 = arith.index_cast %scan3A_83 : i32 to index
        %parallel_loop3A_816 = arith.index_cast %parallel_loop3A_814 : i32 to index
        %parallel_loop3A_817 = arith.index_cast %parallel_loop3A_145 : i32 to index
        %parallel_loop3A_818 = arith.constant 304 : index
        %parallel_loop3A_819 = tpu.vector_load %arg7[%parallel_loop3A_815, %parallel_loop3A_816, %parallel_loop3A_817, %parallel_loop3A_818] {strides = array<i32>} : memref<2x3x32x384xf32, #tpu.memory_space<vmem>>, vector<16xf32>,
        tpu.vector_store %arg7[%parallel_loop3A_815, %parallel_loop3A_816, %parallel_loop3A_817, %parallel_loop3A_818], %parallel_loop3A_803 {strides = array<i32>} : memref<2x3x32x384xf32, #tpu.memory_space<vmem>>, vector<16xf32>,
        %parallel_loop3A_820 = arith.constant 2 : i32
        %parallel_loop3A_821 = arith.index_cast %scan3A_83 : i32 to index
        %parallel_loop3A_822 = arith.index_cast %parallel_loop3A_820 : i32 to index
        %parallel_loop3A_823 = arith.index_cast %parallel_loop3A_145 : i32 to index
        %parallel_loop3A_824 = arith.constant 304 : index
        %parallel_loop3A_825 = tpu.vector_load %arg7[%parallel_loop3A_821, %parallel_loop3A_822, %parallel_loop3A_823, %parallel_loop3A_824] {strides = array<i32>} : memref<2x3x32x384xf32, #tpu.memory_space<vmem>>, vector<16xf32>,
        tpu.vector_store %arg7[%parallel_loop3A_821, %parallel_loop3A_822, %parallel_loop3A_823, %parallel_loop3A_824], %parallel_loop3A_807 {strides = array<i32>} : memref<2x3x32x384xf32, #tpu.memory_space<vmem>>, vector<16xf32>,
        %parallel_loop3A_826 = arith.index_cast %scan3A_83 : i32 to index
        %parallel_loop3A_827 = arith.index_cast %parallel_loop3A_145 : i32 to index
        %parallel_loop3A_828 = arith.constant 320 : index
        %parallel_loop3A_829 = tpu.vector_load %arg6[%parallel_loop3A_826, %parallel_loop3A_827, %parallel_loop3A_828] {strides = array<i32>} : memref<2x32x384xi32, #tpu.memory_space<vmem>>, vector<16xi32>,
        %parallel_loop3A_830 = arith.constant 0 : i32
        %parallel_loop3A_831 = vector.broadcast %parallel_loop3A_830 : i32 to vector<16xi32>
        %parallel_loop3A_832 = arith.addi %parallel_loop3A_829, %parallel_loop3A_831 : vector<16xi32>
        %parallel_loop3A_833 = tpu.vector_load_idx %arg5[%parallel_loop3A_832] : memref<3072xf32, #tpu.memory_space<vmem>>[vector<16xi32>], vector<16xf32>,
        %parallel_loop3A_834 = arith.constant 1024 : i32
        %parallel_loop3A_835 = vector.broadcast %parallel_loop3A_834 : i32 to vector<16xi32>
        %parallel_loop3A_836 = arith.addi %parallel_loop3A_829, %parallel_loop3A_835 : vector<16xi32>
        %parallel_loop3A_837 = tpu.vector_load_idx %arg5[%parallel_loop3A_836] : memref<3072xf32, #tpu.memory_space<vmem>>[vector<16xi32>], vector<16xf32>,
        %parallel_loop3A_838 = arith.constant 2048 : i32
        %parallel_loop3A_839 = vector.broadcast %parallel_loop3A_838 : i32 to vector<16xi32>
        %parallel_loop3A_840 = arith.addi %parallel_loop3A_829, %parallel_loop3A_839 : vector<16xi32>
        %parallel_loop3A_841 = tpu.vector_load_idx %arg5[%parallel_loop3A_840] : memref<3072xf32, #tpu.memory_space<vmem>>[vector<16xi32>], vector<16xf32>,
        %parallel_loop3A_842 = arith.constant 0 : i32
        %parallel_loop3A_843 = arith.index_cast %scan3A_83 : i32 to index
        %parallel_loop3A_844 = arith.index_cast %parallel_loop3A_842 : i32 to index
        %parallel_loop3A_845 = arith.index_cast %parallel_loop3A_145 : i32 to index
        %parallel_loop3A_846 = arith.constant 320 : index
        %parallel_loop3A_847 = tpu.vector_load %arg7[%parallel_loop3A_843, %parallel_loop3A_844, %parallel_loop3A_845, %parallel_loop3A_846] {strides = array<i32>} : memref<2x3x32x384xf32, #tpu.memory_space<vmem>>, vector<16xf32>,
        tpu.vector_store %arg7[%parallel_loop3A_843, %parallel_loop3A_844, %parallel_loop3A_845, %parallel_loop3A_846], %parallel_loop3A_833 {strides = array<i32>} : memref<2x3x32x384xf32, #tpu.memory_space<vmem>>, vector<16xf32>,
        %parallel_loop3A_848 = arith.constant 1 : i32
        %parallel_loop3A_849 = arith.index_cast %scan3A_83 : i32 to index
        %parallel_loop3A_850 = arith.index_cast %parallel_loop3A_848 : i32 to index
        %parallel_loop3A_851 = arith.index_cast %parallel_loop3A_145 : i32 to index
        %parallel_loop3A_852 = arith.constant 320 : index
        %parallel_loop3A_853 = tpu.vector_load %arg7[%parallel_loop3A_849, %parallel_loop3A_850, %parallel_loop3A_851, %parallel_loop3A_852] {strides = array<i32>} : memref<2x3x32x384xf32, #tpu.memory_space<vmem>>, vector<16xf32>,
        tpu.vector_store %arg7[%parallel_loop3A_849, %parallel_loop3A_850, %parallel_loop3A_851, %parallel_loop3A_852], %parallel_loop3A_837 {strides = array<i32>} : memref<2x3x32x384xf32, #tpu.memory_space<vmem>>, vector<16xf32>,
        %parallel_loop3A_854 = arith.constant 2 : i32
        %parallel_loop3A_855 = arith.index_cast %scan3A_83 : i32 to index
        %parallel_loop3A_856 = arith.index_cast %parallel_loop3A_854 : i32 to index
        %parallel_loop3A_857 = arith.index_cast %parallel_loop3A_145 : i32 to index
        %parallel_loop3A_858 = arith.constant 320 : index
        %parallel_loop3A_859 = tpu.vector_load %arg7[%parallel_loop3A_855, %parallel_loop3A_856, %parallel_loop3A_857, %parallel_loop3A_858] {strides = array<i32>} : memref<2x3x32x384xf32, #tpu.memory_space<vmem>>, vector<16xf32>,
        tpu.vector_store %arg7[%parallel_loop3A_855, %parallel_loop3A_856, %parallel_loop3A_857, %parallel_loop3A_858], %parallel_loop3A_841 {strides = array<i32>} : memref<2x3x32x384xf32, #tpu.memory_space<vmem>>, vector<16xf32>,
        %parallel_loop3A_860 = arith.index_cast %scan3A_83 : i32 to index
        %parallel_loop3A_861 = arith.index_cast %parallel_loop3A_145 : i32 to index
        %parallel_loop3A_862 = arith.constant 336 : index
        %parallel_loop3A_863 = tpu.vector_load %arg6[%parallel_loop3A_860, %parallel_loop3A_861, %parallel_loop3A_862] {strides = array<i32>} : memref<2x32x384xi32, #tpu.memory_space<vmem>>, vector<16xi32>,
        %parallel_loop3A_864 = arith.constant 0 : i32
        %parallel_loop3A_865 = vector.broadcast %parallel_loop3A_864 : i32 to vector<16xi32>
        %parallel_loop3A_866 = arith.addi %parallel_loop3A_863, %parallel_loop3A_865 : vector<16xi32>
        %parallel_loop3A_867 = tpu.vector_load_idx %arg5[%parallel_loop3A_866] : memref<3072xf32, #tpu.memory_space<vmem>>[vector<16xi32>], vector<16xf32>,
        %parallel_loop3A_868 = arith.constant 1024 : i32
        %parallel_loop3A_869 = vector.broadcast %parallel_loop3A_868 : i32 to vector<16xi32>
        %parallel_loop3A_870 = arith.addi %parallel_loop3A_863, %parallel_loop3A_869 : vector<16xi32>
        %parallel_loop3A_871 = tpu.vector_load_idx %arg5[%parallel_loop3A_870] : memref<3072xf32, #tpu.memory_space<vmem>>[vector<16xi32>], vector<16xf32>,
        %parallel_loop3A_872 = arith.constant 2048 : i32
        %parallel_loop3A_873 = vector.broadcast %parallel_loop3A_872 : i32 to vector<16xi32>
        %parallel_loop3A_874 = arith.addi %parallel_loop3A_863, %parallel_loop3A_873 : vector<16xi32>
        %parallel_loop3A_875 = tpu.vector_load_idx %arg5[%parallel_loop3A_874] : memref<3072xf32, #tpu.memory_space<vmem>>[vector<16xi32>], vector<16xf32>,
        %parallel_loop3A_876 = arith.constant 0 : i32
        %parallel_loop3A_877 = arith.index_cast %scan3A_83 : i32 to index
        %parallel_loop3A_878 = arith.index_cast %parallel_loop3A_876 : i32 to index
        %parallel_loop3A_879 = arith.index_cast %parallel_loop3A_145 : i32 to index
        %parallel_loop3A_880 = arith.constant 336 : index
        %parallel_loop3A_881 = tpu.vector_load %arg7[%parallel_loop3A_877, %parallel_loop3A_878, %parallel_loop3A_879, %parallel_loop3A_880] {strides = array<i32>} : memref<2x3x32x384xf32, #tpu.memory_space<vmem>>, vector<16xf32>,
        tpu.vector_store %arg7[%parallel_loop3A_877, %parallel_loop3A_878, %parallel_loop3A_879, %parallel_loop3A_880], %parallel_loop3A_867 {strides = array<i32>} : memref<2x3x32x384xf32, #tpu.memory_space<vmem>>, vector<16xf32>,
        %parallel_loop3A_882 = arith.constant 1 : i32
        %parallel_loop3A_883 = arith.index_cast %scan3A_83 : i32 to index
        %parallel_loop3A_884 = arith.index_cast %parallel_loop3A_882 : i32 to index
        %parallel_loop3A_885 = arith.index_cast %parallel_loop3A_145 : i32 to index
        %parallel_loop3A_886 = arith.constant 336 : index
        %parallel_loop3A_887 = tpu.vector_load %arg7[%parallel_loop3A_883, %parallel_loop3A_884, %parallel_loop3A_885, %parallel_loop3A_886] {strides = array<i32>} : memref<2x3x32x384xf32, #tpu.memory_space<vmem>>, vector<16xf32>,
        tpu.vector_store %arg7[%parallel_loop3A_883, %parallel_loop3A_884, %parallel_loop3A_885, %parallel_loop3A_886], %parallel_loop3A_871 {strides = array<i32>} : memref<2x3x32x384xf32, #tpu.memory_space<vmem>>, vector<16xf32>,
        %parallel_loop3A_888 = arith.constant 2 : i32
        %parallel_loop3A_889 = arith.index_cast %scan3A_83 : i32 to index
        %parallel_loop3A_890 = arith.index_cast %parallel_loop3A_888 : i32 to index
        %parallel_loop3A_891 = arith.index_cast %parallel_loop3A_145 : i32 to index
        %parallel_loop3A_892 = arith.constant 336 : index
        %parallel_loop3A_893 = tpu.vector_load %arg7[%parallel_loop3A_889, %parallel_loop3A_890, %parallel_loop3A_891, %parallel_loop3A_892] {strides = array<i32>} : memref<2x3x32x384xf32, #tpu.memory_space<vmem>>, vector<16xf32>,
        tpu.vector_store %arg7[%parallel_loop3A_889, %parallel_loop3A_890, %parallel_loop3A_891, %parallel_loop3A_892], %parallel_loop3A_875 {strides = array<i32>} : memref<2x3x32x384xf32, #tpu.memory_space<vmem>>, vector<16xf32>,
        %parallel_loop3A_894 = arith.index_cast %scan3A_83 : i32 to index
        %parallel_loop3A_895 = arith.index_cast %parallel_loop3A_145 : i32 to index
        %parallel_loop3A_896 = arith.constant 352 : index
        %parallel_loop3A_897 = tpu.vector_load %arg6[%parallel_loop3A_894, %parallel_loop3A_895, %parallel_loop3A_896] {strides = array<i32>} : memref<2x32x384xi32, #tpu.memory_space<vmem>>, vector<16xi32>,
        %parallel_loop3A_898 = arith.constant 0 : i32
        %parallel_loop3A_899 = vector.broadcast %parallel_loop3A_898 : i32 to vector<16xi32>
        %parallel_loop3A_900 = arith.addi %parallel_loop3A_897, %parallel_loop3A_899 : vector<16xi32>
        %parallel_loop3A_901 = tpu.vector_load_idx %arg5[%parallel_loop3A_900] : memref<3072xf32, #tpu.memory_space<vmem>>[vector<16xi32>], vector<16xf32>,
        %parallel_loop3A_902 = arith.constant 1024 : i32
        %parallel_loop3A_903 = vector.broadcast %parallel_loop3A_902 : i32 to vector<16xi32>
        %parallel_loop3A_904 = arith.addi %parallel_loop3A_897, %parallel_loop3A_903 : vector<16xi32>
        %parallel_loop3A_905 = tpu.vector_load_idx %arg5[%parallel_loop3A_904] : memref<3072xf32, #tpu.memory_space<vmem>>[vector<16xi32>], vector<16xf32>,
        %parallel_loop3A_906 = arith.constant 2048 : i32
        %parallel_loop3A_907 = vector.broadcast %parallel_loop3A_906 : i32 to vector<16xi32>
        %parallel_loop3A_908 = arith.addi %parallel_loop3A_897, %parallel_loop3A_907 : vector<16xi32>
        %parallel_loop3A_909 = tpu.vector_load_idx %arg5[%parallel_loop3A_908] : memref<3072xf32, #tpu.memory_space<vmem>>[vector<16xi32>], vector<16xf32>,
        %parallel_loop3A_910 = arith.constant 0 : i32
        %parallel_loop3A_911 = arith.index_cast %scan3A_83 : i32 to index
        %parallel_loop3A_912 = arith.index_cast %parallel_loop3A_910 : i32 to index
        %parallel_loop3A_913 = arith.index_cast %parallel_loop3A_145 : i32 to index
        %parallel_loop3A_914 = arith.constant 352 : index
        %parallel_loop3A_915 = tpu.vector_load %arg7[%parallel_loop3A_911, %parallel_loop3A_912, %parallel_loop3A_913, %parallel_loop3A_914] {strides = array<i32>} : memref<2x3x32x384xf32, #tpu.memory_space<vmem>>, vector<16xf32>,
        tpu.vector_store %arg7[%parallel_loop3A_911, %parallel_loop3A_912, %parallel_loop3A_913, %parallel_loop3A_914], %parallel_loop3A_901 {strides = array<i32>} : memref<2x3x32x384xf32, #tpu.memory_space<vmem>>, vector<16xf32>,
        %parallel_loop3A_916 = arith.constant 1 : i32
        %parallel_loop3A_917 = arith.index_cast %scan3A_83 : i32 to index
        %parallel_loop3A_918 = arith.index_cast %parallel_loop3A_916 : i32 to index
        %parallel_loop3A_919 = arith.index_cast %parallel_loop3A_145 : i32 to index
        %parallel_loop3A_920 = arith.constant 352 : index
        %parallel_loop3A_921 = tpu.vector_load %arg7[%parallel_loop3A_917, %parallel_loop3A_918, %parallel_loop3A_919, %parallel_loop3A_920] {strides = array<i32>} : memref<2x3x32x384xf32, #tpu.memory_space<vmem>>, vector<16xf32>,
        tpu.vector_store %arg7[%parallel_loop3A_917, %parallel_loop3A_918, %parallel_loop3A_919, %parallel_loop3A_920], %parallel_loop3A_905 {strides = array<i32>} : memref<2x3x32x384xf32, #tpu.memory_space<vmem>>, vector<16xf32>,
        %parallel_loop3A_922 = arith.constant 2 : i32
        %parallel_loop3A_923 = arith.index_cast %scan3A_83 : i32 to index
        %parallel_loop3A_924 = arith.index_cast %parallel_loop3A_922 : i32 to index
        %parallel_loop3A_925 = arith.index_cast %parallel_loop3A_145 : i32 to index
        %parallel_loop3A_926 = arith.constant 352 : index
        %parallel_loop3A_927 = tpu.vector_load %arg7[%parallel_loop3A_923, %parallel_loop3A_924, %parallel_loop3A_925, %parallel_loop3A_926] {strides = array<i32>} : memref<2x3x32x384xf32, #tpu.memory_space<vmem>>, vector<16xf32>,
        tpu.vector_store %arg7[%parallel_loop3A_923, %parallel_loop3A_924, %parallel_loop3A_925, %parallel_loop3A_926], %parallel_loop3A_909 {strides = array<i32>} : memref<2x3x32x384xf32, #tpu.memory_space<vmem>>, vector<16xf32>,
        %parallel_loop3A_928 = arith.index_cast %scan3A_83 : i32 to index
        %parallel_loop3A_929 = arith.index_cast %parallel_loop3A_145 : i32 to index
        %parallel_loop3A_930 = arith.constant 368 : index
        %parallel_loop3A_931 = tpu.vector_load %arg6[%parallel_loop3A_928, %parallel_loop3A_929, %parallel_loop3A_930] {strides = array<i32>} : memref<2x32x384xi32, #tpu.memory_space<vmem>>, vector<16xi32>,
        %parallel_loop3A_932 = arith.constant 0 : i32
        %parallel_loop3A_933 = vector.broadcast %parallel_loop3A_932 : i32 to vector<16xi32>
        %parallel_loop3A_934 = arith.addi %parallel_loop3A_931, %parallel_loop3A_933 : vector<16xi32>
        %parallel_loop3A_935 = tpu.vector_load_idx %arg5[%parallel_loop3A_934] : memref<3072xf32, #tpu.memory_space<vmem>>[vector<16xi32>], vector<16xf32>,
        %parallel_loop3A_936 = arith.constant 1024 : i32
        %parallel_loop3A_937 = vector.broadcast %parallel_loop3A_936 : i32 to vector<16xi32>
        %parallel_loop3A_938 = arith.addi %parallel_loop3A_931, %parallel_loop3A_937 : vector<16xi32>
        %parallel_loop3A_939 = tpu.vector_load_idx %arg5[%parallel_loop3A_938] : memref<3072xf32, #tpu.memory_space<vmem>>[vector<16xi32>], vector<16xf32>,
        %parallel_loop3A_940 = arith.constant 2048 : i32
        %parallel_loop3A_941 = vector.broadcast %parallel_loop3A_940 : i32 to vector<16xi32>
        %parallel_loop3A_942 = arith.addi %parallel_loop3A_931, %parallel_loop3A_941 : vector<16xi32>
        %parallel_loop3A_943 = tpu.vector_load_idx %arg5[%parallel_loop3A_942] : memref<3072xf32, #tpu.memory_space<vmem>>[vector<16xi32>], vector<16xf32>,
        %parallel_loop3A_944 = arith.constant 0 : i32
        %parallel_loop3A_945 = arith.index_cast %scan3A_83 : i32 to index
        %parallel_loop3A_946 = arith.index_cast %parallel_loop3A_944 : i32 to index
        %parallel_loop3A_947 = arith.index_cast %parallel_loop3A_145 : i32 to index
        %parallel_loop3A_948 = arith.constant 368 : index
        %parallel_loop3A_949 = tpu.vector_load %arg7[%parallel_loop3A_945, %parallel_loop3A_946, %parallel_loop3A_947, %parallel_loop3A_948] {strides = array<i32>} : memref<2x3x32x384xf32, #tpu.memory_space<vmem>>, vector<16xf32>,
        tpu.vector_store %arg7[%parallel_loop3A_945, %parallel_loop3A_946, %parallel_loop3A_947, %parallel_loop3A_948], %parallel_loop3A_935 {strides = array<i32>} : memref<2x3x32x384xf32, #tpu.memory_space<vmem>>, vector<16xf32>,
        %parallel_loop3A_950 = arith.constant 1 : i32
        %parallel_loop3A_951 = arith.index_cast %scan3A_83 : i32 to index
        %parallel_loop3A_952 = arith.index_cast %parallel_loop3A_950 : i32 to index
        %parallel_loop3A_953 = arith.index_cast %parallel_loop3A_145 : i32 to index
        %parallel_loop3A_954 = arith.constant 368 : index
        %parallel_loop3A_955 = tpu.vector_load %arg7[%parallel_loop3A_951, %parallel_loop3A_952, %parallel_loop3A_953, %parallel_loop3A_954] {strides = array<i32>} : memref<2x3x32x384xf32, #tpu.memory_space<vmem>>, vector<16xf32>,
        tpu.vector_store %arg7[%parallel_loop3A_951, %parallel_loop3A_952, %parallel_loop3A_953, %parallel_loop3A_954], %parallel_loop3A_939 {strides = array<i32>} : memref<2x3x32x384xf32, #tpu.memory_space<vmem>>, vector<16xf32>,
        %parallel_loop3A_956 = arith.constant 2 : i32
        %parallel_loop3A_957 = arith.index_cast %scan3A_83 : i32 to index
        %parallel_loop3A_958 = arith.index_cast %parallel_loop3A_956 : i32 to index
        %parallel_loop3A_959 = arith.index_cast %parallel_loop3A_145 : i32 to index
        %parallel_loop3A_960 = arith.constant 368 : index
        %parallel_loop3A_961 = tpu.vector_load %arg7[%parallel_loop3A_957, %parallel_loop3A_958, %parallel_loop3A_959, %parallel_loop3A_960] {strides = array<i32>} : memref<2x3x32x384xf32, #tpu.memory_space<vmem>>, vector<16xf32>,
        tpu.vector_store %arg7[%parallel_loop3A_957, %parallel_loop3A_958, %parallel_loop3A_959, %parallel_loop3A_960], %parallel_loop3A_943 {strides = array<i32>} : memref<2x3x32x384xf32, #tpu.memory_space<vmem>>, vector<16xf32>,
      } {sc.loop_unroll_factor = 1 : i64, sc.parallel_access}
      %mul3A_125 = arith.constant 32 : i32
      %mul3A_126 = arith.muli %scan3A_82, %mul3A_125 : i32
      %dma_start3A_127 = arith.constant 0 : i32
      %dma_start3A_128 = arith.constant 0 : i32
      %dma_start3A_129 = arith.constant 0 : i32
      %dma_start3A_130 = tpu.memref_slice %arg7[%scan3A_83, %dma_start3A_127, %dma_start3A_128, %dma_start3A_129] : memref<2x3x32x384xf32, #tpu.memory_space<vmem>> -> memref<1x3x32x384xf32, #tpu.memory_space<vmem>>
      %dma_start3A_131 = tpu.memref_squeeze %dma_start3A_130 : memref<1x3x32x384xf32, #tpu.memory_space<vmem>> -> memref<3x32x384xf32, #tpu.memory_space<vmem>>
      %dma_start3A_132 = arith.constant 0 : i32
      %dma_start3A_133 = tpu.memref_slice %arg4[%scan3A_81, %mul3A_2, %mul3A_126, %dma_start3A_132] : memref<4x96x384x384xf32, #tpu.memory_space<hbm>> -> memref<1x3x32x384xf32, #tpu.memory_space<hbm>>
      %dma_start3A_134 = tpu.memref_squeeze %dma_start3A_133 : memref<1x3x32x384xf32, #tpu.memory_space<hbm>> -> memref<3x32x384xf32, #tpu.memory_space<hbm>>
      %dma_start3A_135 = tpu.memref_slice %arg9[%scan3A_83] : memref<2x!tpu.dma_semaphore, #tpu.memory_space<semaphore_mem>> -> memref<1x!tpu.dma_semaphore, #tpu.memory_space<semaphore_mem>>
      %dma_start3A_136 = tpu.memref_squeeze %dma_start3A_135 : memref<1x!tpu.dma_semaphore, #tpu.memory_space<semaphore_mem>> -> memref<!tpu.dma_semaphore, #tpu.memory_space<semaphore_mem>>
      %dma_start3A_137 = arith.constant 0 : i32
      %dma_start3A_138 = tpu.memref_slice %arg4[%scan3A_81, %mul3A_2, %mul3A_126, %dma_start3A_137] : memref<4x96x384x384xf32, #tpu.memory_space<hbm>> -> memref<1x3x32x384xf32, #tpu.memory_space<hbm>>
      %dma_start3A_139 = tpu.memref_squeeze %dma_start3A_138 : memref<1x3x32x384xf32, #tpu.memory_space<hbm>> -> memref<3x32x384xf32, #tpu.memory_space<hbm>>
      %dma_start3A_140 = arith.constant 0 : i32
      %dma_start3A_141 = arith.constant 0 : i32
      %dma_start3A_142 = arith.constant 0 : i32
      %dma_start3A_143 = tpu.memref_slice %arg7[%scan3A_83, %dma_start3A_140, %dma_start3A_141, %dma_start3A_142] : memref<2x3x32x384xf32, #tpu.memory_space<vmem>> -> memref<1x3x32x384xf32, #tpu.memory_space<vmem>>
      %dma_start3A_144 = tpu.memref_squeeze %dma_start3A_143 : memref<1x3x32x384xf32, #tpu.memory_space<vmem>> -> memref<3x32x384xf32, #tpu.memory_space<vmem>>
      tpu.enqueue_dma source(%dma_start3A_144 : memref<3x32x384xf32, #tpu.memory_space<vmem>>) target(%dma_start3A_139 : memref<3x32x384xf32, #tpu.memory_space<hbm>>) target_semaphore(%dma_start3A_136 : memref<!tpu.dma_semaphore, #tpu.memory_space<semaphore_mem>>)
      scf.yield %select_n3A_92, %select_n3A, %sub3A_93 : i32, i32, i32
    }
    %scan3A_30 = arith.constant 48 : i32
    %dma_wait3A = arith.constant 0 : i32
    %dma_wait3A_31 = arith.constant 0 : i32
    %dma_wait3A_32 = arith.constant 0 : i32
    %dma_wait3A_33 = arith.constant 0 : i32
    %dma_wait3A_34 = arith.constant 0 : i32
    %dma_wait3A_35 = arith.constant 0 : i32
    %dma_wait3A_36 = tpu.memref_slice %arg7[%dma_wait3A, %dma_wait3A_33, %dma_wait3A_34, %dma_wait3A_35] : memref<2x3x32x384xf32, #tpu.memory_space<vmem>> -> memref<1x3x32x384xf32, #tpu.memory_space<vmem>>
    %dma_wait3A_37 = tpu.memref_squeeze %dma_wait3A_36 : memref<1x3x32x384xf32, #tpu.memory_space<vmem>> -> memref<3x32x384xf32, #tpu.memory_space<vmem>>
    %dma_wait3A_38 = arith.constant 0 : i32
    %dma_wait3A_39 = arith.constant 0 : i32
    %dma_wait3A_40 = arith.constant 0 : i32
    %dma_wait3A_41 = tpu.memref_slice %arg4[%dma_wait3A_31, %dma_wait3A_38, %dma_wait3A_39, %dma_wait3A_40] : memref<4x96x384x384xf32, #tpu.memory_space<hbm>> -> memref<1x3x32x384xf32, #tpu.memory_space<hbm>>
    %dma_wait3A_42 = tpu.memref_squeeze %dma_wait3A_41 : memref<1x3x32x384xf32, #tpu.memory_space<hbm>> -> memref<3x32x384xf32, #tpu.memory_space<hbm>>
    %dma_wait3A_43 = tpu.memref_slice %arg9[%dma_wait3A_32] : memref<2x!tpu.dma_semaphore, #tpu.memory_space<semaphore_mem>> -> memref<1x!tpu.dma_semaphore, #tpu.memory_space<semaphore_mem>>
    %dma_wait3A_44 = tpu.memref_squeeze %dma_wait3A_43 : memref<1x!tpu.dma_semaphore, #tpu.memory_space<semaphore_mem>> -> memref<!tpu.dma_semaphore, #tpu.memory_space<semaphore_mem>>
    %dma_wait3A_45 = arith.constant 0 : i32
    %dma_wait3A_46 = arith.constant 0 : i32
    %dma_wait3A_47 = arith.constant 0 : i32
    %dma_wait3A_48 = tpu.memref_slice %arg4[%dma_wait3A_31, %dma_wait3A_45, %dma_wait3A_46, %dma_wait3A_47] : memref<4x96x384x384xf32, #tpu.memory_space<hbm>> -> memref<1x3x32x384xf32, #tpu.memory_space<hbm>>
    %dma_wait3A_49 = tpu.memref_squeeze %dma_wait3A_48 : memref<1x3x32x384xf32, #tpu.memory_space<hbm>> -> memref<3x32x384xf32, #tpu.memory_space<hbm>>
    %dma_wait3A_50 = arith.constant 0 : i32
    %dma_wait3A_51 = arith.constant 0 : i32
    %dma_wait3A_52 = arith.constant 0 : i32
    %dma_wait3A_53 = tpu.memref_slice %arg7[%dma_wait3A, %dma_wait3A_50, %dma_wait3A_51, %dma_wait3A_52] : memref<2x3x32x384xf32, #tpu.memory_space<vmem>> -> memref<1x3x32x384xf32, #tpu.memory_space<vmem>>
    %dma_wait3A_54 = tpu.memref_squeeze %dma_wait3A_53 : memref<1x3x32x384xf32, #tpu.memory_space<vmem>> -> memref<3x32x384xf32, #tpu.memory_space<vmem>>
    tpu.wait_dma2 semaphore(%dma_wait3A_44 : memref<!tpu.dma_semaphore, #tpu.memory_space<semaphore_mem>>) src(%dma_wait3A_54 : memref<3x32x384xf32, #tpu.memory_space<vmem>>) dst(%dma_wait3A_49 : memref<3x32x384xf32, #tpu.memory_space<hbm>>)
    %dma_wait3A_55 = arith.constant 1 : i32
    %dma_wait3A_56 = arith.constant 0 : i32
    %dma_wait3A_57 = arith.constant 1 : i32
    %dma_wait3A_58 = arith.constant 0 : i32
    %dma_wait3A_59 = arith.constant 0 : i32
    %dma_wait3A_60 = arith.constant 0 : i32
    %dma_wait3A_61 = tpu.memref_slice %arg7[%dma_wait3A_55, %dma_wait3A_58, %dma_wait3A_59, %dma_wait3A_60] : memref<2x3x32x384xf32, #tpu.memory_space<vmem>> -> memref<1x3x32x384xf32, #tpu.memory_space<vmem>>
    %dma_wait3A_62 = tpu.memref_squeeze %dma_wait3A_61 : memref<1x3x32x384xf32, #tpu.memory_space<vmem>> -> memref<3x32x384xf32, #tpu.memory_space<vmem>>
    %dma_wait3A_63 = arith.constant 0 : i32
    %dma_wait3A_64 = arith.constant 0 : i32
    %dma_wait3A_65 = arith.constant 0 : i32
    %dma_wait3A_66 = tpu.memref_slice %arg4[%dma_wait3A_56, %dma_wait3A_63, %dma_wait3A_64, %dma_wait3A_65] : memref<4x96x384x384xf32, #tpu.memory_space<hbm>> -> memref<1x3x32x384xf32, #tpu.memory_space<hbm>>
    %dma_wait3A_67 = tpu.memref_squeeze %dma_wait3A_66 : memref<1x3x32x384xf32, #tpu.memory_space<hbm>> -> memref<3x32x384xf32, #tpu.memory_space<hbm>>
    %dma_wait3A_68 = tpu.memref_slice %arg9[%dma_wait3A_57] : memref<2x!tpu.dma_semaphore, #tpu.memory_space<semaphore_mem>> -> memref<1x!tpu.dma_semaphore, #tpu.memory_space<semaphore_mem>>
    %dma_wait3A_69 = tpu.memref_squeeze %dma_wait3A_68 : memref<1x!tpu.dma_semaphore, #tpu.memory_space<semaphore_mem>> -> memref<!tpu.dma_semaphore, #tpu.memory_space<semaphore_mem>>
    %dma_wait3A_70 = arith.constant 0 : i32
    %dma_wait3A_71 = arith.constant 0 : i32
    %dma_wait3A_72 = arith.constant 0 : i32
    %dma_wait3A_73 = tpu.memref_slice %arg4[%dma_wait3A_56, %dma_wait3A_70, %dma_wait3A_71, %dma_wait3A_72] : memref<4x96x384x384xf32, #tpu.memory_space<hbm>> -> memref<1x3x32x384xf32, #tpu.memory_space<hbm>>
    %dma_wait3A_74 = tpu.memref_squeeze %dma_wait3A_73 : memref<1x3x32x384xf32, #tpu.memory_space<hbm>> -> memref<3x32x384xf32, #tpu.memory_space<hbm>>
    %dma_wait3A_75 = arith.constant 0 : i32
    %dma_wait3A_76 = arith.constant 0 : i32
    %dma_wait3A_77 = arith.constant 0 : i32
    %dma_wait3A_78 = tpu.memref_slice %arg7[%dma_wait3A_55, %dma_wait3A_75, %dma_wait3A_76, %dma_wait3A_77] : memref<2x3x32x384xf32, #tpu.memory_space<vmem>> -> memref<1x3x32x384xf32, #tpu.memory_space<vmem>>
    %dma_wait3A_79 = tpu.memref_squeeze %dma_wait3A_78 : memref<1x3x32x384xf32, #tpu.memory_space<vmem>> -> memref<3x32x384xf32, #tpu.memory_space<vmem>>
    tpu.wait_dma2 semaphore(%dma_wait3A_69 : memref<!tpu.dma_semaphore, #tpu.memory_space<semaphore_mem>>) src(%dma_wait3A_79 : memref<3x32x384xf32, #tpu.memory_space<vmem>>) dst(%dma_wait3A_74 : memref<3x32x384xf32, #tpu.memory_space<hbm>>)
    return
  }
}

</mosaic_0001>

<sc_bundles>
// kernel: kernel.3.cloned.1.call-start
scs
__scs_entry_jumppad:
0x0: {  	(pc) =	sbr.rel $0x88, $3  }
0x1: {  	(tag) =	ssettag $0x0;
	lr =	simm.s32 $0x1  }
0x2: {  	[smem:$0x3F9F] =	sst lr;
	_ =	strace $0xD0000000  }
0x3: {  	_ = 	snop  }
0x4: {  	_ = 	snop  }
0x5: {  	_ = 	snop  }
0x6: {  	_ = 	snop  }
0x7: {  	_ = 	snop  }
__scs_overlays_trampoline_lowered:
0x8: {  	[smem:$0x3FAE] =	sst s0  }
0x9: {  	[smem:$0x3FAF] =	sst s1  }
0xa: {  	[smem:$0x3FB0] =	sst s2  }
0xb: {  	[smem:$0x3FB1] =	sst s3  }
0xc: {  	[smem:$0x3FB2] =	sst s4  }
0xd: {  	[smem:$0x3FB3] =	sst s5  }
0xe: {  	[smem:$0x3FB4] =	sst s6  }
0xf: {  	[smem:$0x3FB5] =	sst s7  }
0x10: {  	[smem:$0x3FB6] =	sst s8  }
0x11: {  	[smem:$0x3FB7] =	sst s9;
	s0 =	simm.s32 @!p0 $0x0  }
0x12: {  	s1 =	sld [smem:$0x3F9D];
	s0 =	simm.s32 @p0 $0x1  }
0x13: {  	[smem:$0x3FB8] =	sst s0;
	s0 =	simm.s32 @!p1 $0x0  }
0x14: {  	s2 =	sld [smem:$0x3F9C];
	s0 =	simm.s32 @p1 $0x1  }
0x15: {  	[smem:$0x3FB9] =	sst s0;
	s0 =	simm.s32 @!p2 $0x0  }
0x16: {  	s3 =	sld [smem:$0x3FDB];
	s0 =	simm.s32 @p2 $0x1  }
0x17: {  	s4 =	simm.s32 $0x1BF5;
	[smem:$0x3FBB] =	sst s0  }
0x18: {  	s0 =	sld [smem:$0x3F9E];
	_ =	swait.ge [sflag:s4], $0x0  }
0x19: {  	s7 =	sld [smem:$0x3F9F]  }
0x1a: {  	s8 =	sadd.s32 $0xFFFFE003, lr  }
0x1b: {  	s9 =	sadd.s32 $0xFFFFFEF7, lr;
	s5 =	simm.s32 $0xFFFFFFFF;
	p2 =	slt.u32 s8, $0xFFFFF086  }
0x1c: {  	p1 =	slt.u32 s9, $0xF7A;
	s5 =	simm.s32 @!p2 $0x0  }
0x1d: {  	s5 =	simm.s32 @p1 $0x1;
	p0 =	seq.s32 s7, s2  }
0x1e: {  	s7 =	smul.u32 @!p0 $0xF7A, s2;
	p2 =	seq.s32 @!p0 s5, $0x0  }
0x1f: {  	s9 =	smul.u32 $0xF7A, s1;
	s8 =	simm.s32 @!p0 $0x1BF5;
	p2 =	por !p2, p0  }
0x20: {  	[sflag:s8] =	ssyncset.s32 @!p0 $0xFFFFF086;
	s6 =	sadd.s32 @!p0 s3, s7;
	s7 =	simm.s32 @!p0 $0x108  }
0x21: {  	s3 =	sadd.s32 s3, s9;
	s6 =	sadd.s32 @!p0 $0x88, s6;
	s7 =	simm.s32 @p2 $0x1082  }
0x22: {  	[simem:s7], [sflag:s8] =	dma.local @!p0 [hbm:s6], $0xF7A  }
0x23: {  	s9 =	sor.u32 $0xD0000000, s2;
	s6 =	simm.s32 $0x108;
	_ =	swait.ge @!p0 [sflag:s8], $0x0  }
0x24: {  	s3 =	sadd.s32 $0x88, s3;
	s6 =	simm.s32 @!p1 $0x1082;
	[sflag:s4] =	ssyncset.s32 $0xFFFFF086  }
0x25: {  	[simem:s6], [sflag:s4] =	dma.local [hbm:s3], $0xF7A  }
0x26: {  	[smem:$0x3F9F] =	sst s1;
	(tag) =	ssettag s2;
	_ =	strace s9  }
0x27: {  	s1 =	sld [smem:$0x3FAF]  }
0x28: {  	s2 =	sld [smem:$0x3FB0]  }
0x29: {  	s4 =	sld [smem:$0x3FB2]  }
0x2a: {  	p0 =	seq.s32 s5, $0x0;
	s5 =	sld [smem:$0x3FB3]  }
0x2b: {  	s6 =	sld [smem:$0x3FB4]  }
0x2c: {  	s7 =	sld [smem:$0x3FB5]  }
0x2d: {  	s3 =	simm.s32 $0x108;
	s8 =	sld [smem:$0x3FB6]  }
0x2e: {  	s3 =	simm.s32 @!p0 $0x1082;
	s9 =	sld [smem:$0x3FB7]  }
0x2f: {  	lr =	sadd.s32 s0, s3;
	s0 =	sld [smem:$0x3FAE]  }
0x30: {  	s3 =	sld [smem:$0x3FB1]  }
0x31: {  	[smem:$0x3FBA] =	sst s10  }
0x32: {  	s10 =	sld [smem:$0x3FB8];
	_ =	sdelay $0x3  }
0x33: {  	p0 =	seq.s32 s10, $0x1;
	s10 =	sld [smem:$0x3FBA];
	_ =	sdelay $0x3  }
0x34: {  	[smem:$0x3FBA] =	sst s10  }
0x35: {  	s10 =	sld [smem:$0x3FB9];
	_ =	sdelay $0x3  }
0x36: {  	p1 =	seq.s32 s10, $0x1;
	s10 =	sld [smem:$0x3FBA];
	_ =	sdelay $0x3  }
0x37: {  	[smem:$0x3FBA] =	sst s10  }
0x38: {  	s10 =	sld [smem:$0x3FBB]  }
0x39: {  	_ = 	snop;
	(pc) =	sbr.ind lr, $3  }
0x3a: {  	_ = 	snop  }
0x3b: {  	_ = 	snop  }
0x3c: {  	p2 =	seq.s32 s10, $0x1;
	s10 =	sld [smem:$0x3FBA]  }
0x3d: {  	_ =	shalt  }
0x3e: {  	_ =	shalt  }
0x3f: {  	_ =	shalt  }
0x40: {  	_ =	shalt  }
0x41: {  	_ =	shalt  }
0x42: {  	_ =	shalt  }
0x43: {  	_ =	shalt  }
0x44: {  	_ =	shalt  }
0x45: {  	_ =	shalt  }
0x46: {  	_ =	shalt  }
0x47: {  	_ =	shalt  }
0x48: {  	_ =	shalt  }
0x49: {  	_ =	shalt  }
0x4a: {  	_ =	shalt  }
0x4b: {  	_ =	shalt  }
0x4c: {  	_ =	shalt  }
0x4d: {  	_ =	shalt  }
0x4e: {  	_ =	shalt  }
0x4f: {  	_ =	shalt  }
0x50: {  	_ =	shalt  }
0x51: {  	_ =	shalt  }
0x52: {  	_ =	shalt  }
0x53: {  	_ =	shalt  }
0x54: {  	_ =	shalt  }
0x55: {  	_ =	shalt  }
0x56: {  	_ =	shalt  }
0x57: {  	_ =	shalt  }
0x58: {  	_ =	shalt  }
0x59: {  	_ =	shalt  }
0x5a: {  	_ =	shalt  }
0x5b: {  	_ =	shalt  }
0x5c: {  	_ =	shalt  }
0x5d: {  	_ =	shalt  }
0x5e: {  	_ =	shalt  }
0x5f: {  	_ =	shalt  }
0x60: {  	_ =	shalt  }
0x61: {  	_ =	shalt  }
0x62: {  	_ =	shalt  }
0x63: {  	_ =	shalt  }
0x64: {  	_ =	shalt  }
0x65: {  	_ =	shalt  }
0x66: {  	_ =	shalt  }
0x67: {  	_ =	shalt  }
0x68: {  	_ =	shalt  }
0x69: {  	_ =	shalt  }
0x6a: {  	_ =	shalt  }
0x6b: {  	_ =	shalt  }
0x6c: {  	_ =	shalt  }
0x6d: {  	_ =	shalt  }
0x6e: {  	_ =	shalt  }
0x6f: {  	_ =	shalt  }
0x70: {  	_ =	shalt  }
0x71: {  	_ =	shalt  }
0x72: {  	_ =	shalt  }
0x73: {  	_ =	shalt  }
0x74: {  	_ =	shalt  }
0x75: {  	_ =	shalt  }
0x76: {  	_ =	shalt  }
0x77: {  	_ =	shalt  }
0x78: {  	_ =	shalt  }
0x79: {  	_ =	shalt  }
0x7a: {  	_ =	shalt  }
0x7b: {  	_ =	shalt  }
0x7c: {  	_ =	shalt  }
0x7d: {  	_ =	shalt  }
0x7e: {  	_ =	shalt  }
0x7f: {  	_ =	shalt  }
0x80: {  	_ =	shalt  }
0x81: {  	_ =	shalt  }
0x82: {  	_ =	shalt  }
0x83: {  	_ =	shalt  }
0x84: {  	_ =	shalt  }
0x85: {  	_ =	shalt  }
0x86: {  	_ =	shalt  }
0x87: {  	_ =	shalt  }
.Lfunc_end0:
.L_simem_size_0:
called_computation_lowered:
.L_overlay_start_0:
0x88: {  	s2 =	sld [smem:$0x3FD9]  }
0x89: {  	s3 =	sld [smem:$0x3FFE];
	_ =	sdelay $0x1  }
0x8a: {  	s1 =	srdreg.scid  }
0x8b: {  	s0 =	sand.u32 $0x1, s1  }
0x8c: {  	s17 =	sshll.u32 s0, $0xA;
	s2 =	sadd.s32 s3, s2  }
0x8d: {  	s2 =	sadd.s32 s2, s17  }
0x8e: {  	[smem:$0x3FC6] =	sst s2  }
0x8f: {  	_ = 	snop  }
0x90: {  	s2 =	sld [smem:$0x3FC8]  }
0x91: {  	s18 =	sld [smem:$0x3FD0];
	(tm) =	ssettm $0x1  }
0x92: {  	s4 =	sld [smem:$0x3FFB];
	_ =	sdelay $0x3  }
0x93: {  	_ =	strace s4  }
0x94: {  	s4 =	sld [smem:$0x3FFC];
	_ =	sdelay $0x3  }
0x95: {  	_ =	strace s4  }
0x96: {  	s4 =	sld [smem:$0x3FFD];
	_ =	sdelay $0x3  }
0x97: {  	_ =	strace s4  }
0x98: {  	_ =	strace $0x8FFFFFFF  }
0x99: {  	s19 =	sld [smem:$0x3FDB];
	_ =	sdelay $0x1  }
0x9a: {  	s5 =	simm.s32 $_scs_section_size  }
0x9b: {  	s6 =	simm.s32 $_size__tile_overlayer_lowered;
	s7 =	simm.s32 $_tile_overlayer_lowered  }
0x9c: {  	s22 =	simm.s32 $0x1BFF;
	s21 =	sshll.u32 s7, $0x1;
	s4 =	sadd.s32 s5, s19  }
0x9d: {  	s8 =	simm.s32 $0x0;
	s20 =	sshll.u32 s6, $0x1;
	s6 =	sadd.s32 s21, s4  }
0x9e: {  	[timem:s8], [sflag:s22] =	dma.local [hbm:s6], s20  }
0x9f: {  	_ =	swait.ge [sflag:s22], s20  }
0xa0: {  	s5 =	ssub.s32 $0x0, s20;
	[sflag:s22] =	ssyncset.done $0x0  }
0xa1: {  	[sflag:s22] =	ssyncadd.s32 s5;
	_ =	sdelay $0x1  }
0xa2: {  	s23 =	simm.s32 $0x1B8B  }
0xa3: {  	_ =	swait.ge [sflag:s23], $0x1  }
0xa4: {  	[sflag:s23] =	ssyncset.done $0x0  }
0xa5: {  	s25 =	simm.s32 $0x1B8E;
	s24 =	sld [smem:$0x3FFE];
	[sflag:s23] =	ssyncadd.s32 $0xFFFFFFFF  }
0xa6: {  	s26 =	simm.s32 $execute0_lowered;
	[smem:$0x3FD2] =	sst s25  }
0xa7: {  	s6 =	sshll.u32 s26, $0x1;
	_ =	strace $0x80000046;
	[dreg:$0x1] =	wrdreg $0xFFFFFFFF  }
0xa8: {  	s28 =	simm.s32 $_size_execute0_lowered;
	s4 =	sadd.s32 s4, s6;
	[dreg:$0x0] =	wrdreg $0x0  }
0xa9: {  	s6 =	sshll.u32 s28, $0x1;
	[dreg:$0x2] =	wrdreg s4  }
0xaa: {  	[dreg:$0x3] =	wrdreg s6  }
0xab: {  	[dreg:$0x4] =	wrdreg $0xC0  }
0xac: {  	_ =	task [dreg:s8], $0x5FFFF  }
0xad: {  	[dreg:$0x1] =	wrdreg $0xFFFFFFFF  }
0xae: {  	[dreg:$0x0] =	wrdreg $0x60  }
0xaf: {  	[dreg:$0x2] =	wrdreg s24  }
0xb0: {  	[dreg:$0x3] =	wrdreg s2  }
0xb1: {  	[dreg:$0x4] =	wrdreg s18  }
0xb2: {  	[dreg:$0x5] =	wrdreg $0x9  }
0xb3: {  	_ =	task.clear_ibuf [dreg:s8], $0x6FFFF;
	_ =	strace $0x90000046  }
0xb4: {  	s29 =	simm.s32 $0x9;
	_ =	strace $0x80000048  }
0xb5: {  	_ =	swait.ge [sflag:s29], $0x1  }
0xb6: {  	[sflag:s29] =	ssyncadd.s32 $0xFFFFFFFF  }
0xb7: {  	_ =	strace $0x90000048  }
0xb8: {  	_ =	sfence  }
0xb9: {  	s30 =	sld [smem:$0x0];
	_ =	sdelay $0x2  }
0xba: {  	s31 =	sshll.u32 s1, $0xD;
	s1 =	sshrl.u32 s1, $0x2  }
0xbb: {  	s3 =	sand.u32 $0x4000, s31;
	s1 =	sadd.s32 s1, s30  }
0xbc: {  	s0 =	sor.u32 s3, s0;
	s1 =	sshll.u32 s1, $0x11  }
0xbd: {  	s0 =	sor.u32 s1, s0  }
0xbe: {  	s0 =	sadd.s32 $0x8F2B, s0  }
0xbf: {  	[sflag:s0] =	ssyncadd.remote.s32 $0x1  }
0xc0: {  	_ =	sfence.sel $0xFFFF  }
0xc1: {  	[dreg:$0x0] =	wrdreg $0xFFFFFFFF;
	(pc) =	sbr.abs _section_cstart, $3  }
0xc2: {  	[dreg:$0x1] =	wrdreg $0xFFFFFFFF  }
0xc3: {  	_ =	task.clear_ibuf [dreg:s8], $0x2FFFF;
	_ =	strace $0x9FFFFFFF  }
0xc4: {  	(tm) =	ssettm $0x7FFFFFFF  }
0xc5: {  	_ =	shalt  }
tec
execute0_lowered:
.L_overlay_start_1:
0x0: {  	(tag) =	ssettag $0x1  }
0x1: {  	s0 =	rddreg [dreg:$0x0]  }
0x2: {  	s2 =	rddreg [dreg:$0x1]  }
0x3: {  	s3 =	rddreg [dreg:$0x2];
	s1 =	srdreg.scid  }
0x4: {  	s6 =	stileid.u32;
	s4 =	simm.s32 $0x0;
	s1 =	sand.u32 $0x1, s1  }
0x5: {  	s10 =	simm.s32 $0x3000;
	s11 =	simm.s32 $0x24000;
	s5 =	ssub.s32 $0x2, s1  }
0x6: {  	s14 =	simm.s32 $0x0;
	s6 =	sshll.u32 s6, $0x1;
	s7 =	sshrl.u32 s5, $0x1  }
0x7: {  	[smem:$0x7FF] =	sst s4;
	s1 =	sor.u32 s1, s6;
	s8 =	ssub.s32 s5, s7  }
0x8: {  	_ =	strace $0x80000047;
	s5 =	smul.u32 $0x3000, s1;
	s31 =	smax.u32 s8, $0x1  }
0x9: {  	s6 =	sadd.s32 $0x400, s0;
	s7 =	smul.u32 $0x6C000, s1;
	[dreg:$0x4] =	wrdreg s31  }
.LBB2_1:
0xa: {  	s0 =	simm.s32 $0xC00;
	s15 =	simm.s32 $0x0  }
0xb: {  	s16 =	simm.s32 $0x0;
	s17 =	simm.s32 $0x0;
	s31 =	simm.s32 $0x0  }
0xc: {  	[tilespmem:s0], [sflag:$0x1] =	stream.linear.gather [hbm4b:s2+s4], $0x3000, $0x38;
	[tilespmem:$0x18C00] =	vst v63  }
.LBB2_2:
0xd: {  	p0 =	sne.s32 s16, $0x0  }
0xe: {  	s0 =	sshrl.u32 @!p0 s17, $0x2  }
0xf: {  	s0 =	smul.u32 @!p0 $0x60000, s0  }
0x10: {  	s1 =	sshll.u32 @!p0 s17, $0x7  }
0x11: {  	s1 =	sand.u32 @!p0 $0x180, s1;
	s0 =	sadd.s32 @!p0 s5, s0  }
0x12: {  	s0 =	sor.u32 @!p0 s1, s0  }
0x13: {  	s8 =	simm.s32 @!p0 $0x200;
	s0 =	sshrl.u32 @!p0 s0, $0x3  }
0x14: {  	s9 =	simm.s32 @!p0 $0x0;
	s1 =	simm.s32 @!p0 $0x80;
	s0 =	sadd.s32 @!p0 s6, s0  }
0x15: {  	[tilespmem:s9], [sflag:$0x5] =	stream.strided.gather @!p0 [hbm4b:s0+s1], $0xC00, s8, s1, $0x38;
	[tilespmem:$0x18C00] =	vst v63  }
0x16: {  	p2 =	seq.s32 s16, $0xB;
	s18 =	sadd.s32 $0x1, s16;
	s0 =	simm.s32 $0x1  }
0x17: {  	p1 =	seq.s32 s31, $0x2F;
	s18 =	simm.s32 @p2 $0x0;
	s0 =	simm.s32 @!p2 $0x0  }
0x18: {  	s1 =	smul.u32 @!p1 $0x3000, s18;
	s8 =	simm.s32 @!p0 $0x5;
	s19 =	sadd.s32 s0, s17  }
0x19: {  	s20 =	sxor.u32 $0x1, s15;
	_ =	swait.ge @!p0 [sflag:s8], $0xC00;
	s0 =	smul.u32 @!p1 $0x24000, s19  }
0x1a: {  	s9 =	smul.u32 @!p1 $0xC000, s20;
	[sflag:s8] =	ssyncset.done @!p0 $0x0  }
0x1b: {  	[sflag:s8] =	ssyncadd.s32 @!p0 $0xFFFFF400;
	s0 =	sadd.s32 @!p1 s0, s1  }
0x1c: {  	s8 =	sadd.s32 @!p1 $0x1, s20;
	s1 =	sshra.s32 @!p1 s9, $0x2;
	s0 =	sshrl.u32 @!p1 s0, $0x3  }
0x1d: {  	s9 =	simm.s32 @!p1 $0x0;
	s1 =	sor.u32 @!p1 $0xC00, s1;
	s0 =	sadd.s32 @!p1 s2, s0  }
0x1e: {  	[tilespmem:s1], [sflag:s8] =	stream.linear.gather @!p1 [hbm4b:s0+s9], $0x3000, $0x38;
	[tilespmem:$0x18C00] =	vst v63  }
0x1f: {  	s8 =	sadd.s32 $0x1, s15  }
0x20: {  	s12 =	simm.s32 $0x0;
	s9 =	smul.u32 $0xC000, s15;
	_ =	swait.ge [sflag:s8], $0x3000  }
0x21: {  	s13 =	smul.u32 $0xC00, s12;
	p0 =	slt.u32 s31, $0x2;
	[sflag:s8] =	ssyncset.done $0x0  }
0x22: {  	s1 =	sshra.s32 s9, $0x2;
	[sflag:s8] =	ssyncadd.s32 $0xFFFFD000;
	s8 =	sadd.s32 @!p0 $0x3, s15  }
0x23: {  	s21 =	simm.s32 $0x0;
	s0 =	sor.u32 $0xC00, s1;
	_ =	swait.ge @!p0 [sflag:s8], $0x9000  }
0x24: {  	s1 =	sand.u32 $0x380, s21;
	s12 =	sadd.s32 s13, s0;
	[sflag:s8] =	ssyncset.done @!p0 $0x0  }
0x25: {  	s23 =	sadd.s32 s1, s12;
	[sflag:s8] =	ssyncadd.s32 @!p0 $0xFFFF7000  }
0x26: {  	v0 =	vld [tilespmem:s23+$0x0];
	_ =	sdelay $0x4  }
0x27: {  	v1 =	vadd.s32 $0x400, v0  }
0x28: {  	v2 =	vadd.s32 $0x800, v0;
	_ =	sdelay $0x1  }
0x29: {  	s22 =	smul.u32 $0x24000, s15  }
0x2a: {  	v0 =	vld.idx.msk [tilespmem:v0+s4+$0x0], $0xffff  }
0x2b: {  	s8 =	sshra.s32 s22, $0x2;
	v1 =	vld.idx.msk [tilespmem:v1+s4+$0x0], $0xffff  }
0x2c: {  	s21 =	sadd.s32 $0x6C00, s8;
	v2 =	vld.idx.msk [tilespmem:v2+s4+$0x0], $0xffff  }
0x2d: {  	s8 =	sadd.s32 s13, s21  }
0x2e: {  	s22 =	sadd.s32 s1, s8  }
0x2f: {  	[tilespmem:s22+$0x0] =	vst v0  }
0x30: {  	[tilespmem:s22+$0x3000] =	vst v1  }
0x31: {  	[tilespmem:s22+$0x6000] =	vst v2  }
0x32: {  	v0 =	vld [tilespmem:s23+$0x10];
	_ =	sdelay $0x4  }
0x33: {  	v1 =	vadd.s32 $0x400, v0  }
0x34: {  	v2 =	vadd.s32 $0x800, v0;
	_ =	sdelay $0x2  }
0x35: {  	v0 =	vld.idx.msk [tilespmem:v0+s4+$0x0], $0xffff  }
0x36: {  	v1 =	vld.idx.msk [tilespmem:v1+s4+$0x0], $0xffff  }
0x37: {  	v2 =	vld.idx.msk [tilespmem:v2+s4+$0x0], $0xffff;
	_ =	sdelay $0x2  }
0x38: {  	[tilespmem:s22+$0x10] =	vst v0  }
0x39: {  	[tilespmem:s22+$0x3010] =	vst v1  }
0x3a: {  	[tilespmem:s22+$0x6010] =	vst v2  }
0x3b: {  	v0 =	vld [tilespmem:s23+$0x20];
	_ =	sdelay $0x4  }
0x3c: {  	v1 =	vadd.s32 $0x400, v0  }
0x3d: {  	v2 =	vadd.s32 $0x800, v0;
	_ =	sdelay $0x2  }
0x3e: {  	v0 =	vld.idx.msk [tilespmem:v0+s4+$0x0], $0xffff  }
0x3f: {  	v1 =	vld.idx.msk [tilespmem:v1+s4+$0x0], $0xffff  }
0x40: {  	v2 =	vld.idx.msk [tilespmem:v2+s4+$0x0], $0xffff;
	_ =	sdelay $0x2  }
0x41: {  	[tilespmem:s22+$0x20] =	vst v0  }
0x42: {  	[tilespmem:s22+$0x3020] =	vst v1  }
0x43: {  	[tilespmem:s22+$0x6020] =	vst v2  }
0x44: {  	v0 =	vld [tilespmem:s23+$0x30];
	_ =	sdelay $0x4  }
0x45: {  	v1 =	vadd.s32 $0x400, v0  }
0x46: {  	v2 =	vadd.s32 $0x800, v0;
	_ =	sdelay $0x2  }
0x47: {  	v0 =	vld.idx.msk [tilespmem:v0+s4+$0x0], $0xffff  }
0x48: {  	v1 =	vld.idx.msk [tilespmem:v1+s4+$0x0], $0xffff  }
0x49: {  	v2 =	vld.idx.msk [tilespmem:v2+s4+$0x0], $0xffff;
	_ =	sdelay $0x2  }
0x4a: {  	[tilespmem:s22+$0x30] =	vst v0  }
0x4b: {  	[tilespmem:s22+$0x3030] =	vst v1  }
0x4c: {  	[tilespmem:s22+$0x6030] =	vst v2  }
0x4d: {  	v0 =	vld [tilespmem:s23+$0x40];
	_ =	sdelay $0x4  }
0x4e: {  	v1 =	vadd.s32 $0x400, v0  }
0x4f: {  	v2 =	vadd.s32 $0x800, v0;
	_ =	sdelay $0x2  }
0x50: {  	v0 =	vld.idx.msk [tilespmem:v0+s4+$0x0], $0xffff  }
0x51: {  	v1 =	vld.idx.msk [tilespmem:v1+s4+$0x0], $0xffff  }
0x52: {  	v2 =	vld.idx.msk [tilespmem:v2+s4+$0x0], $0xffff;
	_ =	sdelay $0x2  }
0x53: {  	[tilespmem:s22+$0x40] =	vst v0  }
0x54: {  	[tilespmem:s22+$0x3040] =	vst v1  }
0x55: {  	[tilespmem:s22+$0x6040] =	vst v2  }
0x56: {  	v0 =	vld [tilespmem:s23+$0x50];
	_ =	sdelay $0x4  }
0x57: {  	v1 =	vadd.s32 $0x400, v0  }
0x58: {  	v2 =	vadd.s32 $0x800, v0;
	_ =	sdelay $0x2  }
0x59: {  	v0 =	vld.idx.msk [tilespmem:v0+s4+$0x0], $0xffff  }
0x5a: {  	v1 =	vld.idx.msk [tilespmem:v1+s4+$0x0], $0xffff  }
0x5b: {  	v2 =	vld.idx.msk [tilespmem:v2+s4+$0x0], $0xffff;
	_ =	sdelay $0x2  }
0x5c: {  	[tilespmem:s22+$0x50] =	vst v0  }
0x5d: {  	[tilespmem:s22+$0x3050] =	vst v1  }
0x5e: {  	s24 =	simm.s32 $0x0;
	[tilespmem:s22+$0x6050] =	vst v2  }
0x5f: {  	s1 =	smul.u32 $0xC00, s24;
	v0 =	vld [tilespmem:s23+$0x60]  }
0x60: {  	s25 =	simm.s32 $0x80  }
0x61: {  	s8 =	sand.u32 $0x380, s25;
	s26 =	sadd.s32 s1, s0  }
0x62: {  	s25 =	sadd.s32 s8, s26  }
0x63: {  	v1 =	vld [tilespmem:s25+$0x0]  }
0x64: {  	v2 =	vadd.s32 $0x400, v0  }
0x65: {  	v3 =	vadd.s32 $0x800, v0;
	_ =	sdelay $0x2  }
0x66: {  	v4 =	vadd.s32 $0x400, v1;
	v0 =	vld.idx.msk [tilespmem:v0+s4+$0x0], $0xffff  }
0x67: {  	v5 =	vadd.s32 $0x800, v1;
	v2 =	vld.idx.msk [tilespmem:v2+s4+$0x0], $0xffff  }
0x68: {  	v3 =	vld.idx.msk [tilespmem:v3+s4+$0x0], $0xffff;
	_ =	sdelay $0x1  }
0x69: {  	v1 =	vld.idx.msk [tilespmem:v1+s4+$0x0], $0xffff  }
0x6a: {  	v4 =	vld.idx.msk [tilespmem:v4+s4+$0x0], $0xffff;
	[tilespmem:s22+$0x60] =	vst v0  }
0x6b: {  	v0 =	vld.idx.msk [tilespmem:v5+s4+$0x0], $0xffff;
	[tilespmem:s22+$0x3060] =	vst v2  }
0x6c: {  	s1 =	sadd.s32 s1, s21;
	[tilespmem:s22+$0x6060] =	vst v3  }
0x6d: {  	s24 =	sadd.s32 s8, s1;
	v2 =	vld [tilespmem:s23+$0x70]  }
0x6e: {  	[tilespmem:s24+$0x0] =	vst v1  }
0x6f: {  	[tilespmem:s24+$0x3000] =	vst v4  }
0x70: {  	[tilespmem:s24+$0x6000] =	vst v0  }
0x71: {  	v0 =	vld [tilespmem:s25+$0x10]  }
0x72: {  	v1 =	vadd.s32 $0x400, v2  }
0x73: {  	v3 =	vadd.s32 $0x800, v2;
	_ =	sdelay $0x2  }
0x74: {  	v4 =	vadd.s32 $0x400, v0;
	v2 =	vld.idx.msk [tilespmem:v2+s4+$0x0], $0xffff  }
0x75: {  	v5 =	vadd.s32 $0x800, v0;
	v1 =	vld.idx.msk [tilespmem:v1+s4+$0x0], $0xffff  }
0x76: {  	v3 =	vld.idx.msk [tilespmem:v3+s4+$0x0], $0xffff;
	_ =	sdelay $0x1  }
0x77: {  	v0 =	vld.idx.msk [tilespmem:v0+s4+$0x0], $0xffff  }
0x78: {  	v4 =	vld.idx.msk [tilespmem:v4+s4+$0x0], $0xffff;
	[tilespmem:s22+$0x70] =	vst v2  }
0x79: {  	v2 =	vld.idx.msk [tilespmem:v5+s4+$0x0], $0xffff;
	[tilespmem:s22+$0x3070] =	vst v1  }
0x7a: {  	[tilespmem:s22+$0x6070] =	vst v3  }
0x7b: {  	v1 =	vld [tilespmem:s23+$0x400]  }
0x7c: {  	[tilespmem:s24+$0x10] =	vst v0  }
0x7d: {  	[tilespmem:s24+$0x3010] =	vst v4  }
0x7e: {  	[tilespmem:s24+$0x6010] =	vst v2  }
0x7f: {  	v0 =	vld [tilespmem:s25+$0x20]  }
0x80: {  	v2 =	vadd.s32 $0x400, v1  }
0x81: {  	v3 =	vadd.s32 $0x800, v1;
	_ =	sdelay $0x2  }
0x82: {  	v4 =	vadd.s32 $0x400, v0;
	v1 =	vld.idx.msk [tilespmem:v1+s4+$0x0], $0xffff  }
0x83: {  	v5 =	vadd.s32 $0x800, v0;
	v2 =	vld.idx.msk [tilespmem:v2+s4+$0x0], $0xffff  }
0x84: {  	v3 =	vld.idx.msk [tilespmem:v3+s4+$0x0], $0xffff;
	_ =	sdelay $0x1  }
0x85: {  	v0 =	vld.idx.msk [tilespmem:v0+s4+$0x0], $0xffff  }
0x86: {  	v4 =	vld.idx.msk [tilespmem:v4+s4+$0x0], $0xffff;
	[tilespmem:s22+$0x400] =	vst v1  }
0x87: {  	v1 =	vld.idx.msk [tilespmem:v5+s4+$0x0], $0xffff;
	[tilespmem:s22+$0x3400] =	vst v2  }
0x88: {  	[tilespmem:s22+$0x6400] =	vst v3  }
0x89: {  	v2 =	vld [tilespmem:s23+$0x410]  }
0x8a: {  	[tilespmem:s24+$0x20] =	vst v0  }
0x8b: {  	[tilespmem:s24+$0x3020] =	vst v4  }
0x8c: {  	[tilespmem:s24+$0x6020] =	vst v1  }
0x8d: {  	v0 =	vld [tilespmem:s25+$0x30]  }
0x8e: {  	v1 =	vadd.s32 $0x400, v2  }
0x8f: {  	v3 =	vadd.s32 $0x800, v2;
	_ =	sdelay $0x2  }
0x90: {  	v4 =	vadd.s32 $0x400, v0;
	v2 =	vld.idx.msk [tilespmem:v2+s4+$0x0], $0xffff  }
0x91: {  	v5 =	vadd.s32 $0x800, v0;
	v1 =	vld.idx.msk [tilespmem:v1+s4+$0x0], $0xffff  }
0x92: {  	v3 =	vld.idx.msk [tilespmem:v3+s4+$0x0], $0xffff;
	_ =	sdelay $0x1  }
0x93: {  	v0 =	vld.idx.msk [tilespmem:v0+s4+$0x0], $0xffff  }
0x94: {  	v4 =	vld.idx.msk [tilespmem:v4+s4+$0x0], $0xffff;
	[tilespmem:s22+$0x410] =	vst v2  }
0x95: {  	v2 =	vld.idx.msk [tilespmem:v5+s4+$0x0], $0xffff;
	[tilespmem:s22+$0x3410] =	vst v1  }
0x96: {  	[tilespmem:s22+$0x6410] =	vst v3  }
0x97: {  	v1 =	vld [tilespmem:s23+$0x420]  }
0x98: {  	[tilespmem:s24+$0x30] =	vst v0  }
0x99: {  	[tilespmem:s24+$0x3030] =	vst v4  }
0x9a: {  	[tilespmem:s24+$0x6030] =	vst v2  }
0x9b: {  	v0 =	vld [tilespmem:s25+$0x40]  }
0x9c: {  	v2 =	vadd.s32 $0x400, v1  }
0x9d: {  	v3 =	vadd.s32 $0x800, v1;
	_ =	sdelay $0x2  }
0x9e: {  	v4 =	vadd.s32 $0x400, v0;
	v1 =	vld.idx.msk [tilespmem:v1+s4+$0x0], $0xffff  }
0x9f: {  	v5 =	vadd.s32 $0x800, v0;
	v2 =	vld.idx.msk [tilespmem:v2+s4+$0x0], $0xffff  }
0xa0: {  	v3 =	vld.idx.msk [tilespmem:v3+s4+$0x0], $0xffff;
	_ =	sdelay $0x1  }
0xa1: {  	v0 =	vld.idx.msk [tilespmem:v0+s4+$0x0], $0xffff  }
0xa2: {  	v4 =	vld.idx.msk [tilespmem:v4+s4+$0x0], $0xffff;
	[tilespmem:s22+$0x420] =	vst v1  }
0xa3: {  	v1 =	vld.idx.msk [tilespmem:v5+s4+$0x0], $0xffff;
	[tilespmem:s22+$0x3420] =	vst v2  }
0xa4: {  	[tilespmem:s22+$0x6420] =	vst v3  }
0xa5: {  	v2 =	vld [tilespmem:s23+$0x430]  }
0xa6: {  	[tilespmem:s24+$0x40] =	vst v0  }
0xa7: {  	[tilespmem:s24+$0x3040] =	vst v4  }
0xa8: {  	[tilespmem:s24+$0x6040] =	vst v1  }
0xa9: {  	v0 =	vld [tilespmem:s25+$0x50]  }
0xaa: {  	v1 =	vadd.s32 $0x400, v2  }
0xab: {  	v3 =	vadd.s32 $0x800, v2  }
0xac: {  	s12 =	simm.s32 $0x0  }
0xad: {  	s1 =	smul.u32 $0xC00, s12  }
0xae: {  	s13 =	simm.s32 $0x100;
	v4 =	vadd.s32 $0x400, v0;
	v2 =	vld.idx.msk [tilespmem:v2+s4+$0x0], $0xffff  }
0xaf: {  	s8 =	sand.u32 $0x380, s13;
	s26 =	sadd.s32 s1, s0;
	v5 =	vadd.s32 $0x800, v0;
	v1 =	vld.idx.msk [tilespmem:v1+s4+$0x0], $0xffff  }
0xb0: {  	s28 =	sadd.s32 s8, s26;
	v3 =	vld.idx.msk [tilespmem:v3+s4+$0x0], $0xffff  }
0xb1: {  	v6 =	vld [tilespmem:s28+$0x0]  }
0xb2: {  	v0 =	vld.idx.msk [tilespmem:v0+s4+$0x0], $0xffff  }
0xb3: {  	v4 =	vld.idx.msk [tilespmem:v4+s4+$0x0], $0xffff;
	[tilespmem:s22+$0x430] =	vst v2  }
0xb4: {  	v2 =	vld.idx.msk [tilespmem:v5+s4+$0x0], $0xffff;
	[tilespmem:s22+$0x3430] =	vst v1  }
0xb5: {  	[tilespmem:s22+$0x6430] =	vst v3  }
0xb6: {  	v1 =	vadd.s32 $0x400, v6;
	v3 =	vld [tilespmem:s23+$0x440]  }
0xb7: {  	v5 =	vadd.s32 $0x800, v6;
	[tilespmem:s24+$0x50] =	vst v0  }
0xb8: {  	[tilespmem:s24+$0x3050] =	vst v4  }
0xb9: {  	v0 =	vld.idx.msk [tilespmem:v6+s4+$0x0], $0xffff;
	[tilespmem:s24+$0x6050] =	vst v2  }
0xba: {  	v2 =	vld [tilespmem:s25+$0x60]  }
0xbb: {  	v1 =	vld.idx.msk [tilespmem:v1+s4+$0x0], $0xffff;
	v4 =	vadd.s32 $0x400, v3  }
0xbc: {  	v5 =	vld.idx.msk [tilespmem:v5+s4+$0x0], $0xffff;
	v6 =	vadd.s32 $0x800, v3  }
0xbd: {  	s1 =	sadd.s32 s1, s21  }
0xbe: {  	s26 =	sadd.s32 s8, s1  }
0xbf: {  	[tilespmem:s26+$0x0] =	vst v0;
	v0 =	vadd.s32 $0x400, v2;
	v3 =	vld.idx.msk [tilespmem:v3+s4+$0x0], $0xffff  }
0xc0: {  	[tilespmem:s26+$0x3000] =	vst v1;
	v1 =	vadd.s32 $0x800, v2;
	v4 =	vld.idx.msk [tilespmem:v4+s4+$0x0], $0xffff  }
0xc1: {  	[tilespmem:s26+$0x6000] =	vst v5;
	v5 =	vld.idx.msk [tilespmem:v6+s4+$0x0], $0xffff  }
0xc2: {  	v6 =	vld [tilespmem:s28+$0x10]  }
0xc3: {  	v2 =	vld.idx.msk [tilespmem:v2+s4+$0x0], $0xffff  }
0xc4: {  	v0 =	vld.idx.msk [tilespmem:v0+s4+$0x0], $0xffff;
	[tilespmem:s22+$0x440] =	vst v3  }
0xc5: {  	v1 =	vld.idx.msk [tilespmem:v1+s4+$0x0], $0xffff;
	[tilespmem:s22+$0x3440] =	vst v4  }
0xc6: {  	[tilespmem:s22+$0x6440] =	vst v5  }
0xc7: {  	v3 =	vadd.s32 $0x400, v6;
	v4 =	vld [tilespmem:s23+$0x450]  }
0xc8: {  	v5 =	vadd.s32 $0x800, v6;
	[tilespmem:s24+$0x60] =	vst v2  }
0xc9: {  	[tilespmem:s24+$0x3060] =	vst v0  }
0xca: {  	v0 =	vld.idx.msk [tilespmem:v6+s4+$0x0], $0xffff;
	[tilespmem:s24+$0x6060] =	vst v1  }
0xcb: {  	v1 =	vld [tilespmem:s25+$0x70]  }
0xcc: {  	v2 =	vld.idx.msk [tilespmem:v3+s4+$0x0], $0xffff;
	v3 =	vadd.s32 $0x400, v4  }
0xcd: {  	v5 =	vld.idx.msk [tilespmem:v5+s4+$0x0], $0xffff;
	v6 =	vadd.s32 $0x800, v4;
	_ =	sdelay $0x2  }
0xce: {  	[tilespmem:s26+$0x10] =	vst v0;
	v4 =	vld.idx.msk [tilespmem:v4+s4+$0x0], $0xffff;
	v0 =	vadd.s32 $0x400, v1  }
0xcf: {  	[tilespmem:s26+$0x3010] =	vst v2;
	v2 =	vadd.s32 $0x800, v1;
	v3 =	vld.idx.msk [tilespmem:v3+s4+$0x0], $0xffff  }
0xd0: {  	[tilespmem:s26+$0x6010] =	vst v5;
	v5 =	vld.idx.msk [tilespmem:v6+s4+$0x0], $0xffff  }
0xd1: {  	v6 =	vld [tilespmem:s28+$0x20]  }
0xd2: {  	v1 =	vld.idx.msk [tilespmem:v1+s4+$0x0], $0xffff  }
0xd3: {  	[tilespmem:s22+$0x450] =	vst v4;
	v0 =	vld.idx.msk [tilespmem:v0+s4+$0x0], $0xffff  }
0xd4: {  	v2 =	vld.idx.msk [tilespmem:v2+s4+$0x0], $0xffff;
	[tilespmem:s22+$0x3450] =	vst v3  }
0xd5: {  	[tilespmem:s22+$0x6450] =	vst v5  }
0xd6: {  	v3 =	vadd.s32 $0x400, v6;
	v4 =	vld [tilespmem:s23+$0x460]  }
0xd7: {  	v5 =	vadd.s32 $0x800, v6;
	[tilespmem:s24+$0x70] =	vst v1  }
0xd8: {  	[tilespmem:s24+$0x3070] =	vst v0  }
0xd9: {  	v0 =	vld.idx.msk [tilespmem:v6+s4+$0x0], $0xffff;
	[tilespmem:s24+$0x6070] =	vst v2  }
0xda: {  	v1 =	vld [tilespmem:s25+$0x400]  }
0xdb: {  	v2 =	vld.idx.msk [tilespmem:v3+s4+$0x0], $0xffff;
	v3 =	vadd.s32 $0x400, v4  }
0xdc: {  	v5 =	vld.idx.msk [tilespmem:v5+s4+$0x0], $0xffff;
	v6 =	vadd.s32 $0x800, v4;
	_ =	sdelay $0x2  }
0xdd: {  	[tilespmem:s26+$0x20] =	vst v0;
	v4 =	vld.idx.msk [tilespmem:v4+s4+$0x0], $0xffff;
	v0 =	vadd.s32 $0x400, v1  }
0xde: {  	[tilespmem:s26+$0x3020] =	vst v2;
	v2 =	vadd.s32 $0x800, v1;
	v3 =	vld.idx.msk [tilespmem:v3+s4+$0x0], $0xffff  }
0xdf: {  	[tilespmem:s26+$0x6020] =	vst v5;
	v5 =	vld.idx.msk [tilespmem:v6+s4+$0x0], $0xffff  }
0xe0: {  	v6 =	vld [tilespmem:s28+$0x30]  }
0xe1: {  	v1 =	vld.idx.msk [tilespmem:v1+s4+$0x0], $0xffff  }
0xe2: {  	[tilespmem:s22+$0x460] =	vst v4;
	v0 =	vld.idx.msk [tilespmem:v0+s4+$0x0], $0xffff  }
0xe3: {  	v2 =	vld.idx.msk [tilespmem:v2+s4+$0x0], $0xffff;
	[tilespmem:s22+$0x3460] =	vst v3  }
0xe4: {  	[tilespmem:s22+$0x6460] =	vst v5  }
0xe5: {  	s12 =	simm.s32 $0x0;
	v3 =	vld [tilespmem:s23+$0x470]  }
0xe6: {  	s8 =	smul.u32 $0xC00, s12;
	[tilespmem:s24+$0x400] =	vst v1  }
0xe7: {  	s1 =	simm.s32 $0x180;
	v1 =	vadd.s32 $0x400, v6;
	[tilespmem:s24+$0x3400] =	vst v0  }
0xe8: {  	s9 =	sand.u32 $0x380, s1;
	s13 =	sadd.s32 s8, s0;
	v0 =	vadd.s32 $0x800, v6;
	[tilespmem:s24+$0x6400] =	vst v2  }
0xe9: {  	s30 =	sadd.s32 s9, s13;
	v2 =	vld [tilespmem:s25+$0x410]  }
0xea: {  	v4 =	vld [tilespmem:s30+$0x0];
	v5 =	vadd.s32 $0x400, v3  }
0xeb: {  	v6 =	vld.idx.msk [tilespmem:v6+s4+$0x0], $0xffff;
	v7 =	vadd.s32 $0x800, v3  }
0xec: {  	v1 =	vld.idx.msk [tilespmem:v1+s4+$0x0], $0xffff  }
0xed: {  	v0 =	vld.idx.msk [tilespmem:v0+s4+$0x0], $0xffff  }
0xee: {  	v3 =	vld.idx.msk [tilespmem:v3+s4+$0x0], $0xffff;
	v8 =	vadd.s32 $0x400, v2  }
0xef: {  	v9 =	vadd.s32 $0x800, v2;
	v5 =	vld.idx.msk [tilespmem:v5+s4+$0x0], $0xffff  }
0xf0: {  	[tilespmem:s26+$0x30] =	vst v6;
	v6 =	vadd.s32 $0x400, v4;
	v7 =	vld.idx.msk [tilespmem:v7+s4+$0x0], $0xffff  }
0xf1: {  	[tilespmem:s26+$0x3030] =	vst v1;
	v1 =	vld.idx.msk [tilespmem:v2+s4+$0x0], $0xffff  }
0xf2: {  	v2 =	vadd.s32 $0x800, v4;
	v4 =	vld.idx.msk [tilespmem:v4+s4+$0x0], $0xffff  }
0xf3: {  	[tilespmem:s22+$0x470] =	vst v3;
	v8 =	vld.idx.msk [tilespmem:v8+s4+$0x0], $0xffff  }
0xf4: {  	v3 =	vld.idx.msk [tilespmem:v9+s4+$0x0], $0xffff;
	[tilespmem:s22+$0x3470] =	vst v5  }
0xf5: {  	[tilespmem:s22+$0x6470] =	vst v7;
	v5 =	vld.idx.msk [tilespmem:v6+s4+$0x0], $0xffff  }
0xf6: {  	[tilespmem:s26+$0x6030] =	vst v0;
	v0 =	vld [tilespmem:s23+$0x800]  }
0xf7: {  	[tilespmem:s24+$0x410] =	vst v1;
	v1 =	vld.idx.msk [tilespmem:v2+s4+$0x0], $0xffff  }
0xf8: {  	v2 =	vld [tilespmem:s28+$0x40]  }
0xf9: {  	[tilespmem:s24+$0x3410] =	vst v8  }
0xfa: {  	s8 =	sadd.s32 s8, s21;
	[tilespmem:s24+$0x6410] =	vst v3  }
0xfb: {  	s29 =	sadd.s32 s9, s8;
	v3 =	vld [tilespmem:s25+$0x420]  }
0xfc: {  	[tilespmem:s29+$0x0] =	vst v4;
	v4 =	vadd.s32 $0x400, v0  }
0xfd: {  	[tilespmem:s29+$0x3000] =	vst v5;
	v5 =	vadd.s32 $0x800, v0;
	_ =	sdelay $0x1  }
0xfe: {  	v0 =	vld.idx.msk [tilespmem:v0+s4+$0x0], $0xffff  }
0xff: {  	v6 =	vadd.s32 $0x400, v3;
	v9 =	vld.idx.msk [tilespmem:v2+s4+$0x0], $0xffff  }
0x100: {  	v7 =	vadd.s32 $0x800, v3;
	v4 =	vld.idx.msk [tilespmem:v4+s4+$0x0], $0xffff  }
0x101: {  	[tilespmem:s29+$0x6000] =	vst v1;
	v8 =	vadd.s32 $0x400, v2;
	v2 =	vadd.s32 $0x800, v2;
	v5 =	vld.idx.msk [tilespmem:v5+s4+$0x0], $0xffff  }
0x102: {  	v1 =	vld [tilespmem:s30+$0x10]  }
0x103: {  	v3 =	vld.idx.msk [tilespmem:v3+s4+$0x0], $0xffff  }
0x104: {  	[tilespmem:s22+$0x800] =	vst v0;
	v6 =	vld.idx.msk [tilespmem:v6+s4+$0x0], $0xffff  }
0x105: {  	v0 =	vld.idx.msk [tilespmem:v7+s4+$0x0], $0xffff;
	[tilespmem:s22+$0x3800] =	vst v4  }
0x106: {  	v2 =	vld.idx.msk [tilespmem:v2+s4+$0x0], $0xffff;
	[tilespmem:s22+$0x6800] =	vst v5  }
0x107: {  	v4 =	vld.idx.msk [tilespmem:v8+s4+$0x0], $0xffff;
	[tilespmem:s26+$0x40] =	vst v9  }
0x108: {  	v5 =	vld [tilespmem:s23+$0x810];
	[tilespmem:s24+$0x420] =	vst v3  }
0x109: {  	[tilespmem:s24+$0x3420] =	vst v6  }
0x10a: {  	v3 =	vadd.s32 $0x400, v1;
	[tilespmem:s24+$0x6420] =	vst v0  }
0x10b: {  	v0 =	vadd.s32 $0x800, v1;
	[tilespmem:s26+$0x6040] =	vst v2  }
0x10c: {  	v6 =	vld [tilespmem:s25+$0x430];
	[tilespmem:s26+$0x3040] =	vst v4  }
0x10d: {  	v4 =	vadd.s32 $0x400, v5;
	v7 =	vld [tilespmem:s28+$0x50]  }
0x10e: {  	v1 =	vld.idx.msk [tilespmem:v1+s4+$0x0], $0xffff;
	v2 =	vadd.s32 $0x800, v5  }
0x10f: {  	v3 =	vld.idx.msk [tilespmem:v3+s4+$0x0], $0xffff  }
0x110: {  	v0 =	vld.idx.msk [tilespmem:v0+s4+$0x0], $0xffff  }
0x111: {  	v5 =	vld.idx.msk [tilespmem:v5+s4+$0x0], $0xffff;
	v8 =	vadd.s32 $0x400, v6  }
0x112: {  	v9 =	vadd.s32 $0x800, v6;
	v4 =	vld.idx.msk [tilespmem:v4+s4+$0x0], $0xffff  }
0x113: {  	v2 =	vld.idx.msk [tilespmem:v2+s4+$0x0], $0xffff;
	v10 =	vadd.s32 $0x400, v7  }
0x114: {  	v11 =	vadd.s32 $0x800, v7;
	v6 =	vld.idx.msk [tilespmem:v6+s4+$0x0], $0xffff  }
0x115: {  	v7 =	vld.idx.msk [tilespmem:v7+s4+$0x0], $0xffff  }
0x116: {  	[tilespmem:s29+$0x10] =	vst v1;
	v8 =	vld.idx.msk [tilespmem:v8+s4+$0x0], $0xffff  }
0x117: {  	[tilespmem:s22+$0x810] =	vst v5;
	v1 =	vld.idx.msk [tilespmem:v9+s4+$0x0], $0xffff  }
0x118: {  	v5 =	vld.idx.msk [tilespmem:v10+s4+$0x0], $0xffff;
	[tilespmem:s22+$0x3810] =	vst v4  }
0x119: {  	v4 =	vld.idx.msk [tilespmem:v11+s4+$0x0], $0xffff;
	[tilespmem:s22+$0x6810] =	vst v2  }
0x11a: {  	v2 =	vld [tilespmem:s23+$0x820];
	[tilespmem:s24+$0x430] =	vst v6  }
0x11b: {  	[tilespmem:s24+$0x3430] =	vst v8  }
0x11c: {  	[tilespmem:s24+$0x6430] =	vst v1  }
0x11d: {  	[tilespmem:s26+$0x50] =	vst v7;
	v1 =	vld [tilespmem:s25+$0x440]  }
0x11e: {  	[tilespmem:s26+$0x3050] =	vst v5  }
0x11f: {  	[tilespmem:s26+$0x6050] =	vst v4;
	v4 =	vadd.s32 $0x400, v2  }
0x120: {  	[tilespmem:s29+$0x3010] =	vst v3;
	v3 =	vld [tilespmem:s28+$0x60];
	v5 =	vadd.s32 $0x800, v2  }
0x121: {  	[tilespmem:s29+$0x6010] =	vst v0  }
0x122: {  	v0 =	vld [tilespmem:s30+$0x20];
	v6 =	vadd.s32 $0x400, v1  }
0x123: {  	v2 =	vld.idx.msk [tilespmem:v2+s4+$0x0], $0xffff;
	v7 =	vadd.s32 $0x800, v1  }
0x124: {  	v4 =	vld.idx.msk [tilespmem:v4+s4+$0x0], $0xffff  }
0x125: {  	v8 =	vadd.s32 $0x400, v3;
	v5 =	vld.idx.msk [tilespmem:v5+s4+$0x0], $0xffff  }
0x126: {  	v1 =	vld.idx.msk [tilespmem:v1+s4+$0x0], $0xffff  }
0x127: {  	v9 =	vadd.s32 $0x800, v3;
	v6 =	vld.idx.msk [tilespmem:v6+s4+$0x0], $0xffff  }
0x128: {  	[tilespmem:s22+$0x820] =	vst v2;
	v7 =	vld.idx.msk [tilespmem:v7+s4+$0x0], $0xffff  }
0x129: {  	v3 =	vld.idx.msk [tilespmem:v3+s4+$0x0], $0xffff;
	[tilespmem:s22+$0x3820] =	vst v4  }
0x12a: {  	v2 =	vld.idx.msk [tilespmem:v8+s4+$0x0], $0xffff;
	[tilespmem:s22+$0x6820] =	vst v5  }
0x12b: {  	[tilespmem:s24+$0x440] =	vst v1;
	v1 =	vld [tilespmem:s23+$0x830]  }
0x12c: {  	v4 =	vld.idx.msk [tilespmem:v9+s4+$0x0], $0xffff;
	v5 =	vadd.s32 $0x400, v0;
	[tilespmem:s24+$0x3440] =	vst v6  }
0x12d: {  	[tilespmem:s24+$0x6440] =	vst v7  }
0x12e: {  	[tilespmem:s26+$0x60] =	vst v3;
	v7 =	vadd.s32 $0x800, v0;
	v3 =	vld [tilespmem:s25+$0x450];
	_ =	sdelay $0x1  }
0x12f: {  	v8 =	vld.idx.msk [tilespmem:v0+s4+$0x0], $0xffff;
	[tilespmem:s26+$0x3060] =	vst v2;
	v0 =	vadd.s32 $0x400, v1  }
0x130: {  	[tilespmem:s26+$0x6060] =	vst v4;
	v6 =	vld.idx.msk [tilespmem:v5+s4+$0x0], $0xffff;
	v2 =	vadd.s32 $0x800, v1  }
0x131: {  	v10 =	vld [tilespmem:s28+$0x70]  }
0x132: {  	v5 =	vld.idx.msk [tilespmem:v7+s4+$0x0], $0xffff;
	v9 =	vadd.s32 $0x800, v3  }
0x133: {  	v11 =	vld.idx.msk [tilespmem:v1+s4+$0x0], $0xffff  }
0x134: {  	v7 =	vadd.s32 $0x400, v3;
	v1 =	vld.idx.msk [tilespmem:v0+s4+$0x0], $0xffff  }
0x135: {  	v0 =	vld.idx.msk [tilespmem:v2+s4+$0x0], $0xffff  }
0x136: {  	[tilespmem:s29+$0x20] =	vst v8;
	v8 =	vadd.s32 $0x400, v10;
	v4 =	vld.idx.msk [tilespmem:v3+s4+$0x0], $0xffff  }
0x137: {  	v3 =	vld.idx.msk [tilespmem:v9+s4+$0x0], $0xffff;
	v9 =	vadd.s32 $0x800, v10;
	_ =	sdelay $0x1  }
0x138: {  	v2 =	vld.idx.msk [tilespmem:v7+s4+$0x0], $0xffff  }
0x139: {  	s31 =	sadd.s32 $0x1, s31;
	s9 =	simm.s32 $0x4;
	v7 =	vld.idx.msk [tilespmem:v10+s4+$0x0], $0xffff;
	[tilespmem:s22+$0x830] =	vst v11  }
.LBB2_3:
0x13a: {  	p0 =	sne.s32 s9, $0x1F;
	v8 =	vld.idx.msk [tilespmem:v8+s4+$0x0], $0xffff;
	[tilespmem:s22+$0x3830] =	vst v1  }
0x13b: {  	v1 =	vld.idx.msk [tilespmem:v9+s4+$0x0], $0xffff;
	[tilespmem:s22+$0x6830] =	vst v0  }
0x13c: {  	[tilespmem:s24+$0x450] =	vst v4;
	v0 =	vld [tilespmem:s23+$0x840]  }
0x13d: {  	[tilespmem:s24+$0x3450] =	vst v2  }
0x13e: {  	s8 =	sshrl.u32 s9, $0x3;
	[tilespmem:s24+$0x6450] =	vst v3  }
0x13f: {  	s8 =	smul.u32 $0xC00, s8;
	[tilespmem:s26+$0x70] =	vst v7;
	v2 =	vld [tilespmem:s25+$0x460]  }
0x140: {  	s1 =	sadd.s32 $0x80, s1;
	[tilespmem:s26+$0x3070] =	vst v8  }
0x141: {  	s13 =	sand.u32 $0x380, s1;
	s12 =	sadd.s32 s8, s0;
	[tilespmem:s26+$0x6070] =	vst v1;
	v1 =	vadd.s32 $0x400, v0  }
0x142: {  	s12 =	sadd.s32 s13, s12;
	v4 =	vadd.s32 $0x800, v0;
	[tilespmem:s29+$0x3020] =	vst v6;
	v3 =	vld [tilespmem:s28+$0x400]  }
0x143: {  	v6 =	vld [tilespmem:s12+$0x0];
	[tilespmem:s29+$0x6020] =	vst v5  }
0x144: {  	v5 =	vld [tilespmem:s30+$0x30];
	v7 =	vadd.s32 $0x400, v2  }
0x145: {  	v8 =	vadd.s32 $0x800, v2;
	v0 =	vld.idx.msk [tilespmem:v0+s4+$0x0], $0xffff  }
0x146: {  	v1 =	vld.idx.msk [tilespmem:v1+s4+$0x0], $0xffff  }
0x147: {  	v9 =	vadd.s32 $0x400, v3;
	v4 =	vld.idx.msk [tilespmem:v4+s4+$0x0], $0xffff  }
0x148: {  	v10 =	vadd.s32 $0x800, v3;
	v2 =	vld.idx.msk [tilespmem:v2+s4+$0x0], $0xffff  }
0x149: {  	v7 =	vld.idx.msk [tilespmem:v7+s4+$0x0], $0xffff  }
0x14a: {  	v8 =	vld.idx.msk [tilespmem:v8+s4+$0x0], $0xffff  }
0x14b: {  	v11 =	vadd.s32 $0x400, v6;
	v3 =	vld.idx.msk [tilespmem:v3+s4+$0x0], $0xffff;
	[tilespmem:s22+$0x840] =	vst v0  }
0x14c: {  	v0 =	vld.idx.msk [tilespmem:v9+s4+$0x0], $0xffff;
	[tilespmem:s22+$0x3840] =	vst v1  }
0x14d: {  	v1 =	vadd.s32 $0x800, v6;
	v9 =	vld.idx.msk [tilespmem:v10+s4+$0x0], $0xffff;
	[tilespmem:s22+$0x6840] =	vst v4  }
0x14e: {  	[tilespmem:s24+$0x460] =	vst v2;
	v2 =	vld [tilespmem:s23+$0x850]  }
0x14f: {  	v4 =	vld.idx.msk [tilespmem:v6+s4+$0x0], $0xffff;
	[tilespmem:s24+$0x3460] =	vst v7  }
0x150: {  	v7 =	vadd.s32 $0x400, v5;
	v6 =	vld.idx.msk [tilespmem:v11+s4+$0x0], $0xffff;
	[tilespmem:s24+$0x6460] =	vst v8  }
0x151: {  	v8 =	vadd.s32 $0x800, v5;
	[tilespmem:s26+$0x400] =	vst v3;
	v3 =	vld [tilespmem:s25+$0x470]  }
0x152: {  	v1 =	vld.idx.msk [tilespmem:v1+s4+$0x0], $0xffff;
	[tilespmem:s26+$0x3400] =	vst v0  }
0x153: {  	v0 =	vld.idx.msk [tilespmem:v5+s4+$0x0], $0xffff;
	[tilespmem:s26+$0x6400] =	vst v9;
	v5 =	vadd.s32 $0x400, v2  }
0x154: {  	v10 =	vadd.s32 $0x800, v2;
	v9 =	vld [tilespmem:s28+$0x410]  }
0x155: {  	v7 =	vld.idx.msk [tilespmem:v7+s4+$0x0], $0xffff  }
0x156: {  	v8 =	vld.idx.msk [tilespmem:v8+s4+$0x0], $0xffff;
	v11 =	vadd.s32 $0x400, v3  }
0x157: {  	s8 =	sadd.s32 s8, s21;
	v12 =	vadd.s32 $0x800, v3;
	v2 =	vld.idx.msk [tilespmem:v2+s4+$0x0], $0xffff  }
0x158: {  	s8 =	sadd.s32 s13, s8;
	v5 =	vld.idx.msk [tilespmem:v5+s4+$0x0], $0xffff  }
0x159: {  	[tilespmem:s8+$0x0] =	vst v4;
	v4 =	vadd.s32 $0x400, v9;
	v10 =	vld.idx.msk [tilespmem:v10+s4+$0x0], $0xffff  }
0x15a: {  	[tilespmem:s8+$0x3000] =	vst v6;
	v6 =	vadd.s32 $0x800, v9;
	v3 =	vld.idx.msk [tilespmem:v3+s4+$0x0], $0xffff  }
0x15b: {  	[tilespmem:s29+$0x30] =	vst v0;
	v0 =	vld.idx.msk [tilespmem:v11+s4+$0x0], $0xffff  }
0x15c: {  	[tilespmem:s29+$0x3030] =	vst v7;
	v7 =	vld.idx.msk [tilespmem:v12+s4+$0x0], $0xffff  }
0x15d: {  	v9 =	vld.idx.msk [tilespmem:v9+s4+$0x0], $0xffff;
	[tilespmem:s22+$0x850] =	vst v2  }
0x15e: {  	v2 =	vld.idx.msk [tilespmem:v4+s4+$0x0], $0xffff;
	[tilespmem:s22+$0x3850] =	vst v5  }
0x15f: {  	v4 =	vld.idx.msk [tilespmem:v6+s4+$0x0], $0xffff;
	[tilespmem:s22+$0x6850] =	vst v10  }
0x160: {  	[tilespmem:s24+$0x470] =	vst v3;
	v3 =	vld [tilespmem:s23+$0x860]  }
0x161: {  	[tilespmem:s24+$0x3470] =	vst v0  }
0x162: {  	[tilespmem:s24+$0x6470] =	vst v7  }
0x163: {  	[tilespmem:s29+$0x6030] =	vst v8;
	v0 =	vld [tilespmem:s25+$0x800]  }
0x164: {  	[tilespmem:s26+$0x410] =	vst v9  }
0x165: {  	[tilespmem:s26+$0x3410] =	vst v2;
	v2 =	vadd.s32 $0x400, v3  }
0x166: {  	v5 =	vld [tilespmem:s30+$0x40];
	[tilespmem:s26+$0x6410] =	vst v4;
	v4 =	vadd.s32 $0x800, v3  }
0x167: {  	[tilespmem:s8+$0x6000] =	vst v1;
	v1 =	vld [tilespmem:s28+$0x420]  }
0x168: {  	v6 =	vld [tilespmem:s12+$0x10];
	v7 =	vadd.s32 $0x400, v0  }
0x169: {  	v8 =	vadd.s32 $0x800, v0;
	v3 =	vld.idx.msk [tilespmem:v3+s4+$0x0], $0xffff  }
0x16a: {  	v2 =	vld.idx.msk [tilespmem:v2+s4+$0x0], $0xffff  }
0x16b: {  	v4 =	vld.idx.msk [tilespmem:v4+s4+$0x0], $0xffff  }
0x16c: {  	v9 =	vadd.s32 $0x400, v1;
	v0 =	vld.idx.msk [tilespmem:v0+s4+$0x0], $0xffff  }
0x16d: {  	v7 =	vld.idx.msk [tilespmem:v7+s4+$0x0], $0xffff  }
0x16e: {  	v10 =	vadd.s32 $0x800, v1;
	v8 =	vld.idx.msk [tilespmem:v8+s4+$0x0], $0xffff  }
0x16f: {  	v12 =	vadd.s32 $0x400, v5;
	v11 =	vld.idx.msk [tilespmem:v5+s4+$0x0], $0xffff;
	[tilespmem:s22+$0x860] =	vst v3  }
0x170: {  	v1 =	vld.idx.msk [tilespmem:v1+s4+$0x0], $0xffff;
	[tilespmem:s22+$0x3860] =	vst v2  }
0x171: {  	v2 =	vadd.s32 $0x800, v5;
	v3 =	vld.idx.msk [tilespmem:v9+s4+$0x0], $0xffff;
	[tilespmem:s22+$0x6860] =	vst v4  }
0x172: {  	[tilespmem:s24+$0x800] =	vst v0;
	v0 =	vld [tilespmem:s23+$0x870];
	s23 =	smov.u32 s25;
	s25 =	smov.u32 s28;
	s28 =	smov.u32 s30  }
0x173: {  	s30 =	smov.u32 s12;
	v4 =	vld.idx.msk [tilespmem:v10+s4+$0x0], $0xffff;
	[tilespmem:s24+$0x3800] =	vst v7  }
0x174: {  	v5 =	vadd.s32 $0x400, v6;
	v7 =	vld.idx.msk [tilespmem:v12+s4+$0x0], $0xffff;
	[tilespmem:s24+$0x6800] =	vst v8  }
0x175: {  	v8 =	vld [tilespmem:s23+$0x810]  }
0x176: {  	v9 =	vadd.s32 $0x800, v6;
	v2 =	vld.idx.msk [tilespmem:v2+s4+$0x0], $0xffff  }
0x177: {  	[tilespmem:s26+$0x420] =	vst v1;
	v1 =	vadd.s32 $0x800, v0  }
0x178: {  	v6 =	vld.idx.msk [tilespmem:v6+s4+$0x0], $0xffff;
	[tilespmem:s26+$0x3420] =	vst v3  }
0x179: {  	v3 =	vld.idx.msk [tilespmem:v5+s4+$0x0], $0xffff;
	[tilespmem:s26+$0x6420] =	vst v4  }
0x17a: {  	[tilespmem:s29+$0x40] =	vst v11;
	v4 =	vld [tilespmem:s25+$0x430];
	v5 =	vadd.s32 $0x400, v8  }
0x17b: {  	v9 =	vld.idx.msk [tilespmem:v9+s4+$0x0], $0xffff;
	[tilespmem:s29+$0x3040] =	vst v7;
	v7 =	vadd.s32 $0x800, v8  }
0x17c: {  	[tilespmem:s29+$0x6040] =	vst v2;
	v1 =	vld.idx.msk [tilespmem:v1+s4+$0x0], $0xffff  }
0x17d: {  	v10 =	vadd.s32 $0x400, v0;
	v2 =	vld [tilespmem:s28+$0x50]  }
0x17e: {  	v8 =	vld.idx.msk [tilespmem:v8+s4+$0x0], $0xffff  }
0x17f: {  	v11 =	vadd.s32 $0x400, v4;
	v5 =	vld.idx.msk [tilespmem:v5+s4+$0x0], $0xffff  }
0x180: {  	v12 =	vadd.s32 $0x800, v4;
	v7 =	vld.idx.msk [tilespmem:v7+s4+$0x0], $0xffff  }
0x181: {  	v0 =	vld.idx.msk [tilespmem:v0+s4+$0x0], $0xffff  }
0x182: {  	v13 =	vadd.s32 $0x400, v2;
	v10 =	vld.idx.msk [tilespmem:v10+s4+$0x0], $0xffff;
	[tilespmem:s22+$0x6870] =	vst v1  }
0x183: {  	v1 =	vadd.s32 $0x800, v2;
	v4 =	vld.idx.msk [tilespmem:v4+s4+$0x0], $0xffff  }
0x184: {  	v11 =	vld.idx.msk [tilespmem:v11+s4+$0x0], $0xffff  }
0x185: {  	[tilespmem:s8+$0x10] =	vst v6;
	v6 =	vld.idx.msk [tilespmem:v12+s4+$0x0], $0xffff  }
0x186: {  	v2 =	vld.idx.msk [tilespmem:v2+s4+$0x0], $0xffff;
	[tilespmem:s24+$0x810] =	vst v8  }
0x187: {  	v8 =	vld.idx.msk [tilespmem:v13+s4+$0x0], $0xffff;
	[tilespmem:s24+$0x3810] =	vst v5  }
0x188: {  	v1 =	vld.idx.msk [tilespmem:v1+s4+$0x0], $0xffff;
	[tilespmem:s24+$0x6810] =	vst v7  }
0x189: {  	[tilespmem:s26+$0x430] =	vst v4;
	v4 =	vld [tilespmem:s23+$0x820]  }
0x18a: {  	[tilespmem:s26+$0x3430] =	vst v11  }
0x18b: {  	[tilespmem:s26+$0x6430] =	vst v6  }
0x18c: {  	[tilespmem:s29+$0x50] =	vst v2;
	v2 =	vld [tilespmem:s25+$0x440]  }
0x18d: {  	[tilespmem:s29+$0x3050] =	vst v8  }
0x18e: {  	[tilespmem:s29+$0x6050] =	vst v1;
	v1 =	vadd.s32 $0x400, v4  }
0x18f: {  	v5 =	vadd.s32 $0x800, v4;
	[tilespmem:s8+$0x3010] =	vst v3;
	v3 =	vld [tilespmem:s28+$0x60]  }
0x190: {  	[tilespmem:s8+$0x6010] =	vst v9  }
0x191: {  	v6 =	vld [tilespmem:s30+$0x20];
	v7 =	vadd.s32 $0x400, v2;
	[tilespmem:s22+$0x3870] =	vst v10  }
0x192: {  	v8 =	vadd.s32 $0x800, v2;
	v4 =	vld.idx.msk [tilespmem:v4+s4+$0x0], $0xffff;
	[tilespmem:s22+$0x870] =	vst v0;
	s22 =	smov.u32 s24;
	s24 =	smov.u32 s26;
	s26 =	smov.u32 s29  }
0x193: {  	s29 =	smov.u32 s8;
	v0 =	vld.idx.msk [tilespmem:v1+s4+$0x0], $0xffff  }
0x194: {  	v1 =	vadd.s32 $0x400, v3;
	v5 =	vld.idx.msk [tilespmem:v5+s4+$0x0], $0xffff  }
0x195: {  	v9 =	vadd.s32 $0x800, v3;
	v2 =	vld.idx.msk [tilespmem:v2+s4+$0x0], $0xffff  }
0x196: {  	v7 =	vld.idx.msk [tilespmem:v7+s4+$0x0], $0xffff  }
0x197: {  	v8 =	vld.idx.msk [tilespmem:v8+s4+$0x0], $0xffff  }
0x198: {  	v3 =	vld.idx.msk [tilespmem:v3+s4+$0x0], $0xffff;
	[tilespmem:s22+$0x820] =	vst v4  }
0x199: {  	v1 =	vld.idx.msk [tilespmem:v1+s4+$0x0], $0xffff;
	[tilespmem:s22+$0x3820] =	vst v0  }
0x19a: {  	v0 =	vld.idx.msk [tilespmem:v9+s4+$0x0], $0xffff;
	[tilespmem:s22+$0x6820] =	vst v5  }
0x19b: {  	[tilespmem:s24+$0x440] =	vst v2;
	v2 =	vld [tilespmem:s23+$0x830]  }
0x19c: {  	[tilespmem:s24+$0x3440] =	vst v7  }
0x19d: {  	v4 =	vadd.s32 $0x400, v6;
	[tilespmem:s24+$0x6440] =	vst v8  }
0x19e: {  	v5 =	vadd.s32 $0x800, v6;
	[tilespmem:s26+$0x60] =	vst v3;
	v3 =	vld [tilespmem:s25+$0x450]  }
0x19f: {  	[tilespmem:s26+$0x3060] =	vst v1  }
0x1a0: {  	v7 =	vld.idx.msk [tilespmem:v6+s4+$0x0], $0xffff;
	[tilespmem:s26+$0x6060] =	vst v0;
	v0 =	vadd.s32 $0x400, v2  }
0x1a1: {  	v9 =	vadd.s32 $0x800, v2;
	v10 =	vld [tilespmem:s28+$0x70]  }
0x1a2: {  	v6 =	vld.idx.msk [tilespmem:v4+s4+$0x0], $0xffff  }
0x1a3: {  	v5 =	vld.idx.msk [tilespmem:v5+s4+$0x0], $0xffff;
	v11 =	vadd.s32 $0x400, v3  }
0x1a4: {  	v12 =	vadd.s32 $0x800, v3;
	v13 =	vld.idx.msk [tilespmem:v2+s4+$0x0], $0xffff  }
0x1a5: {  	v1 =	vld.idx.msk [tilespmem:v0+s4+$0x0], $0xffff  }
.Ltmp0:
0x1a6: {  	v8 =	vadd.s32 $0x400, v10;
	v0 =	vld.idx.msk [tilespmem:v9+s4+$0x0], $0xffff;
	(pc) =	sbr.rel @p0 .LBB2_3-.Ltmp0, $4  }
0x1a7: {  	v9 =	vadd.s32 $0x800, v10;
	v4 =	vld.idx.msk [tilespmem:v3+s4+$0x0], $0xffff  }
0x1a8: {  	v2 =	vld.idx.msk [tilespmem:v11+s4+$0x0], $0xffff  }
0x1a9: {  	[tilespmem:s29+$0x20] =	vst v7;
	v3 =	vld.idx.msk [tilespmem:v12+s4+$0x0], $0xffff  }
0x1aa: {  	s9 =	sadd.s32 $0x1, s9;
	v7 =	vld.idx.msk [tilespmem:v10+s4+$0x0], $0xffff;
	[tilespmem:s22+$0x830] =	vst v13  }
0x1ab: {  	[tilespmem:s29+$0x3020] =	vst v6  }
0x1ac: {  	[tilespmem:s29+$0x6020] =	vst v5  }
0x1ad: {  	v5 =	vld [tilespmem:s30+$0x30];
	_ =	sdelay $0x4  }
0x1ae: {  	v12 =	vadd.s32 $0x400, v5  }
0x1af: {  	v10 =	vadd.s32 $0x800, v5;
	_ =	sdelay $0x2  }
0x1b0: {  	v5 =	vld.idx.msk [tilespmem:v5+s4+$0x0], $0xffff  }
0x1b1: {  	v6 =	vld.idx.msk [tilespmem:v12+s4+$0x0], $0xffff  }
0x1b2: {  	v10 =	vld.idx.msk [tilespmem:v10+s4+$0x0], $0xffff;
	_ =	sdelay $0x2  }
0x1b3: {  	[tilespmem:s29+$0x30] =	vst v5  }
0x1b4: {  	[tilespmem:s29+$0x3030] =	vst v6  }
0x1b5: {  	[tilespmem:s29+$0x6030] =	vst v10  }
0x1b6: {  	v5 =	vld [tilespmem:s30+$0x40];
	_ =	sdelay $0x4  }
0x1b7: {  	v13 =	vadd.s32 $0x400, v5  }
0x1b8: {  	v14 =	vadd.s32 $0x800, v5;
	_ =	sdelay $0x2  }
0x1b9: {  	v5 =	vld.idx.msk [tilespmem:v5+s4+$0x0], $0xffff  }
0x1ba: {  	v6 =	vld.idx.msk [tilespmem:v13+s4+$0x0], $0xffff  }
0x1bb: {  	v10 =	vld.idx.msk [tilespmem:v14+s4+$0x0], $0xffff;
	_ =	sdelay $0x2  }
0x1bc: {  	[tilespmem:s29+$0x40] =	vst v5  }
0x1bd: {  	[tilespmem:s29+$0x3040] =	vst v6  }
0x1be: {  	[tilespmem:s29+$0x6040] =	vst v10  }
0x1bf: {  	v5 =	vld [tilespmem:s30+$0x50];
	_ =	sdelay $0x4  }
0x1c0: {  	v15 =	vadd.s32 $0x400, v5  }
0x1c1: {  	v16 =	vadd.s32 $0x800, v5;
	_ =	sdelay $0x2  }
0x1c2: {  	v5 =	vld.idx.msk [tilespmem:v5+s4+$0x0], $0xffff  }
0x1c3: {  	v6 =	vld.idx.msk [tilespmem:v15+s4+$0x0], $0xffff  }
0x1c4: {  	v10 =	vld.idx.msk [tilespmem:v16+s4+$0x0], $0xffff;
	_ =	sdelay $0x2  }
0x1c5: {  	[tilespmem:s29+$0x50] =	vst v5  }
0x1c6: {  	[tilespmem:s29+$0x3050] =	vst v6  }
0x1c7: {  	[tilespmem:s29+$0x6050] =	vst v10  }
0x1c8: {  	v5 =	vld [tilespmem:s30+$0x60];
	_ =	sdelay $0x4  }
0x1c9: {  	v17 =	vadd.s32 $0x400, v5  }
0x1ca: {  	v18 =	vadd.s32 $0x800, v5;
	_ =	sdelay $0x2  }
0x1cb: {  	v5 =	vld.idx.msk [tilespmem:v5+s4+$0x0], $0xffff  }
0x1cc: {  	v6 =	vld.idx.msk [tilespmem:v17+s4+$0x0], $0xffff  }
0x1cd: {  	v10 =	vld.idx.msk [tilespmem:v18+s4+$0x0], $0xffff;
	_ =	sdelay $0x2  }
0x1ce: {  	[tilespmem:s29+$0x60] =	vst v5  }
0x1cf: {  	[tilespmem:s29+$0x3060] =	vst v6  }
0x1d0: {  	[tilespmem:s29+$0x6060] =	vst v10  }
0x1d1: {  	v5 =	vld [tilespmem:s30+$0x70];
	_ =	sdelay $0x4  }
0x1d2: {  	v19 =	vadd.s32 $0x400, v5  }
0x1d3: {  	v8 =	vld.idx.msk [tilespmem:v8+s4+$0x0], $0xffff;
	v20 =	vadd.s32 $0x800, v5  }
0x1d4: {  	v9 =	vld.idx.msk [tilespmem:v9+s4+$0x0], $0xffff;
	_ =	sdelay $0x1  }
0x1d5: {  	v5 =	vld.idx.msk [tilespmem:v5+s4+$0x0], $0xffff  }
0x1d6: {  	[tilespmem:s26+$0x70] =	vst v7;
	v6 =	vld.idx.msk [tilespmem:v19+s4+$0x0], $0xffff  }
0x1d7: {  	[tilespmem:s26+$0x3070] =	vst v8;
	v21 =	vld.idx.msk [tilespmem:v20+s4+$0x0], $0xffff  }
0x1d8: {  	[tilespmem:s26+$0x6070] =	vst v9  }
0x1d9: {  	v8 =	vld [tilespmem:s28+$0x400]  }
0x1da: {  	[tilespmem:s29+$0x70] =	vst v5  }
0x1db: {  	[tilespmem:s29+$0x3070] =	vst v6  }
0x1dc: {  	[tilespmem:s29+$0x6070] =	vst v21  }
0x1dd: {  	v5 =	vld [tilespmem:s30+$0x400]  }
0x1de: {  	v23 =	vadd.s32 $0x800, v8  }
0x1df: {  	v22 =	vadd.s32 $0x400, v8;
	_ =	sdelay $0x2  }
0x1e0: {  	v8 =	vld.idx.msk [tilespmem:v8+s4+$0x0], $0xffff;
	v24 =	vadd.s32 $0x400, v5  }
0x1e1: {  	v7 =	vld.idx.msk [tilespmem:v23+s4+$0x0], $0xffff;
	v25 =	vadd.s32 $0x800, v5  }
0x1e2: {  	v6 =	vld.idx.msk [tilespmem:v22+s4+$0x0], $0xffff;
	_ =	sdelay $0x1  }
0x1e3: {  	v5 =	vld.idx.msk [tilespmem:v5+s4+$0x0], $0xffff  }
0x1e4: {  	[tilespmem:s26+$0x400] =	vst v8;
	v9 =	vld.idx.msk [tilespmem:v24+s4+$0x0], $0xffff  }
0x1e5: {  	[tilespmem:s26+$0x6400] =	vst v7;
	v26 =	vld.idx.msk [tilespmem:v25+s4+$0x0], $0xffff  }
0x1e6: {  	[tilespmem:s26+$0x3400] =	vst v6  }
0x1e7: {  	v6 =	vld [tilespmem:s28+$0x410]  }
0x1e8: {  	[tilespmem:s29+$0x400] =	vst v5  }
0x1e9: {  	[tilespmem:s29+$0x3400] =	vst v9  }
0x1ea: {  	[tilespmem:s29+$0x6400] =	vst v26  }
0x1eb: {  	v5 =	vld [tilespmem:s30+$0x410]  }
0x1ec: {  	v27 =	vadd.s32 $0x400, v6  }
0x1ed: {  	v28 =	vadd.s32 $0x800, v6;
	_ =	sdelay $0x2  }
0x1ee: {  	v6 =	vld.idx.msk [tilespmem:v6+s4+$0x0], $0xffff;
	v29 =	vadd.s32 $0x400, v5  }
0x1ef: {  	v7 =	vld.idx.msk [tilespmem:v27+s4+$0x0], $0xffff;
	v30 =	vadd.s32 $0x800, v5  }
0x1f0: {  	v8 =	vld.idx.msk [tilespmem:v28+s4+$0x0], $0xffff;
	_ =	sdelay $0x1  }
0x1f1: {  	v5 =	vld.idx.msk [tilespmem:v5+s4+$0x0], $0xffff  }
0x1f2: {  	[tilespmem:s26+$0x410] =	vst v6;
	v9 =	vld.idx.msk [tilespmem:v29+s4+$0x0], $0xffff  }
0x1f3: {  	[tilespmem:s26+$0x3410] =	vst v7;
	v31 =	vld.idx.msk [tilespmem:v30+s4+$0x0], $0xffff  }
0x1f4: {  	[tilespmem:s26+$0x6410] =	vst v8  }
0x1f5: {  	v7 =	vld [tilespmem:s28+$0x420]  }
0x1f6: {  	[tilespmem:s29+$0x410] =	vst v5  }
0x1f7: {  	[tilespmem:s29+$0x3410] =	vst v9  }
0x1f8: {  	[tilespmem:s29+$0x6410] =	vst v31  }
0x1f9: {  	v5 =	vld [tilespmem:s30+$0x420]  }
0x1fa: {  	v32 =	vadd.s32 $0x400, v7  }
0x1fb: {  	v33 =	vadd.s32 $0x800, v7;
	_ =	sdelay $0x2  }
0x1fc: {  	v7 =	vld.idx.msk [tilespmem:v7+s4+$0x0], $0xffff;
	v34 =	vadd.s32 $0x400, v5  }
0x1fd: {  	v6 =	vld.idx.msk [tilespmem:v32+s4+$0x0], $0xffff;
	v35 =	vadd.s32 $0x800, v5  }
0x1fe: {  	v8 =	vld.idx.msk [tilespmem:v33+s4+$0x0], $0xffff;
	_ =	sdelay $0x1  }
0x1ff: {  	v5 =	vld.idx.msk [tilespmem:v5+s4+$0x0], $0xffff  }
0x200: {  	[tilespmem:s26+$0x420] =	vst v7;
	v9 =	vld.idx.msk [tilespmem:v34+s4+$0x0], $0xffff  }
0x201: {  	[tilespmem:s26+$0x3420] =	vst v6;
	v36 =	vld.idx.msk [tilespmem:v35+s4+$0x0], $0xffff  }
0x202: {  	[tilespmem:s26+$0x6420] =	vst v8  }
0x203: {  	v6 =	vld [tilespmem:s28+$0x430]  }
0x204: {  	[tilespmem:s29+$0x420] =	vst v5  }
0x205: {  	[tilespmem:s29+$0x3420] =	vst v9  }
0x206: {  	[tilespmem:s29+$0x6420] =	vst v36  }
0x207: {  	v5 =	vld [tilespmem:s30+$0x430]  }
0x208: {  	v37 =	vadd.s32 $0x400, v6  }
0x209: {  	v38 =	vadd.s32 $0x800, v6;
	_ =	sdelay $0x2  }
0x20a: {  	v6 =	vld.idx.msk [tilespmem:v6+s4+$0x0], $0xffff;
	v39 =	vadd.s32 $0x400, v5  }
0x20b: {  	v7 =	vld.idx.msk [tilespmem:v37+s4+$0x0], $0xffff;
	v40 =	vadd.s32 $0x800, v5  }
0x20c: {  	v8 =	vld.idx.msk [tilespmem:v38+s4+$0x0], $0xffff;
	_ =	sdelay $0x1  }
0x20d: {  	v5 =	vld.idx.msk [tilespmem:v5+s4+$0x0], $0xffff  }
0x20e: {  	[tilespmem:s26+$0x430] =	vst v6;
	v9 =	vld.idx.msk [tilespmem:v39+s4+$0x0], $0xffff  }
0x20f: {  	[tilespmem:s26+$0x3430] =	vst v7;
	v41 =	vld.idx.msk [tilespmem:v40+s4+$0x0], $0xffff  }
0x210: {  	[tilespmem:s26+$0x6430] =	vst v8  }
0x211: {  	v7 =	vld [tilespmem:s28+$0x440]  }
0x212: {  	[tilespmem:s29+$0x430] =	vst v5  }
0x213: {  	[tilespmem:s29+$0x3430] =	vst v9  }
0x214: {  	[tilespmem:s29+$0x6430] =	vst v41  }
0x215: {  	v5 =	vld [tilespmem:s30+$0x440]  }
0x216: {  	v42 =	vadd.s32 $0x400, v7  }
0x217: {  	v43 =	vadd.s32 $0x800, v7;
	_ =	sdelay $0x2  }
0x218: {  	v7 =	vld.idx.msk [tilespmem:v7+s4+$0x0], $0xffff;
	v44 =	vadd.s32 $0x400, v5  }
0x219: {  	v6 =	vld.idx.msk [tilespmem:v42+s4+$0x0], $0xffff;
	v45 =	vadd.s32 $0x800, v5  }
0x21a: {  	v8 =	vld.idx.msk [tilespmem:v43+s4+$0x0], $0xffff;
	_ =	sdelay $0x1  }
0x21b: {  	v5 =	vld.idx.msk [tilespmem:v5+s4+$0x0], $0xffff  }
0x21c: {  	[tilespmem:s26+$0x440] =	vst v7;
	v9 =	vld.idx.msk [tilespmem:v44+s4+$0x0], $0xffff  }
0x21d: {  	[tilespmem:s26+$0x3440] =	vst v6;
	v46 =	vld.idx.msk [tilespmem:v45+s4+$0x0], $0xffff  }
0x21e: {  	[tilespmem:s26+$0x6440] =	vst v8  }
0x21f: {  	v6 =	vld [tilespmem:s28+$0x450]  }
0x220: {  	[tilespmem:s29+$0x440] =	vst v5  }
0x221: {  	[tilespmem:s29+$0x3440] =	vst v9  }
0x222: {  	[tilespmem:s29+$0x6440] =	vst v46  }
0x223: {  	v5 =	vld [tilespmem:s30+$0x450]  }
0x224: {  	[tilespmem:s24+$0x450] =	vst v4;
	v47 =	vadd.s32 $0x400, v6  }
0x225: {  	[tilespmem:s24+$0x3450] =	vst v2;
	v48 =	vadd.s32 $0x800, v6  }
0x226: {  	[tilespmem:s24+$0x6450] =	vst v3  }
0x227: {  	v3 =	vld [tilespmem:s25+$0x460]  }
0x228: {  	v6 =	vld.idx.msk [tilespmem:v6+s4+$0x0], $0xffff;
	v49 =	vadd.s32 $0x400, v5  }
0x229: {  	v4 =	vld.idx.msk [tilespmem:v47+s4+$0x0], $0xffff;
	v50 =	vadd.s32 $0x800, v5  }
0x22a: {  	v2 =	vld.idx.msk [tilespmem:v48+s4+$0x0], $0xffff;
	_ =	sdelay $0x1  }
0x22b: {  	v51 =	vadd.s32 $0x400, v3;
	v5 =	vld.idx.msk [tilespmem:v5+s4+$0x0], $0xffff  }
0x22c: {  	v52 =	vadd.s32 $0x800, v3;
	[tilespmem:s26+$0x450] =	vst v6;
	v7 =	vld.idx.msk [tilespmem:v49+s4+$0x0], $0xffff  }
0x22d: {  	[tilespmem:s26+$0x3450] =	vst v4;
	v53 =	vld.idx.msk [tilespmem:v50+s4+$0x0], $0xffff  }
0x22e: {  	v3 =	vld.idx.msk [tilespmem:v3+s4+$0x0], $0xffff;
	[tilespmem:s26+$0x6450] =	vst v2  }
0x22f: {  	v2 =	vld [tilespmem:s28+$0x460]  }
0x230: {  	v54 =	vld.idx.msk [tilespmem:v51+s4+$0x0], $0xffff;
	[tilespmem:s29+$0x450] =	vst v5  }
0x231: {  	v55 =	vld.idx.msk [tilespmem:v52+s4+$0x0], $0xffff;
	[tilespmem:s29+$0x3450] =	vst v7  }
0x232: {  	[tilespmem:s29+$0x6450] =	vst v53  }
0x233: {  	v6 =	vld [tilespmem:s30+$0x460]  }
0x234: {  	[tilespmem:s24+$0x460] =	vst v3;
	v56 =	vadd.s32 $0x400, v2  }
0x235: {  	[tilespmem:s24+$0x3460] =	vst v54;
	v57 =	vadd.s32 $0x800, v2  }
0x236: {  	[tilespmem:s24+$0x6460] =	vst v55  }
0x237: {  	v5 =	vld [tilespmem:s25+$0x470]  }
0x238: {  	v2 =	vld.idx.msk [tilespmem:v2+s4+$0x0], $0xffff;
	v58 =	vadd.s32 $0x400, v6  }
0x239: {  	v3 =	vld.idx.msk [tilespmem:v56+s4+$0x0], $0xffff;
	v59 =	vadd.s32 $0x800, v6  }
0x23a: {  	v4 =	vld.idx.msk [tilespmem:v57+s4+$0x0], $0xffff;
	_ =	sdelay $0x1  }
0x23b: {  	v60 =	vadd.s32 $0x400, v5;
	v6 =	vld.idx.msk [tilespmem:v6+s4+$0x0], $0xffff  }
0x23c: {  	v61 =	vadd.s32 $0x800, v5;
	[tilespmem:s26+$0x460] =	vst v2;
	v7 =	vld.idx.msk [tilespmem:v58+s4+$0x0], $0xffff  }
0x23d: {  	[tilespmem:s26+$0x3460] =	vst v3;
	v62 =	vld.idx.msk [tilespmem:v59+s4+$0x0], $0xffff  }
0x23e: {  	[tilespmem:s26+$0x6460] =	vst v4;
	v63 =	vld.idx.msk [tilespmem:v5+s4+$0x0], $0xffff  }
0x23f: {  	v4 =	vld [tilespmem:s28+$0x470]  }
0x240: {  	v11 =	vld.idx.msk [tilespmem:v60+s4+$0x0], $0xffff;
	[tilespmem:s29+$0x460] =	vst v6  }
0x241: {  	v12 =	vld.idx.msk [tilespmem:v61+s4+$0x0], $0xffff;
	[tilespmem:s29+$0x3460] =	vst v7  }
0x242: {  	[tilespmem:s29+$0x6460] =	vst v62  }
0x243: {  	v2 =	vld [tilespmem:s30+$0x470]  }
0x244: {  	[tilespmem:s24+$0x470] =	vst v63;
	v13 =	vadd.s32 $0x400, v4  }
0x245: {  	v14 =	vadd.s32 $0x800, v4;
	[tilespmem:s24+$0x3470] =	vst v11  }
0x246: {  	[tilespmem:s24+$0x6470] =	vst v12  }
0x247: {  	v6 =	vld [tilespmem:s25+$0x800]  }
0x248: {  	v4 =	vld.idx.msk [tilespmem:v4+s4+$0x0], $0xffff;
	v15 =	vadd.s32 $0x400, v2  }
0x249: {  	v3 =	vld.idx.msk [tilespmem:v13+s4+$0x0], $0xffff;
	v16 =	vadd.s32 $0x800, v2  }
0x24a: {  	v5 =	vld.idx.msk [tilespmem:v14+s4+$0x0], $0xffff;
	_ =	sdelay $0x1  }
0x24b: {  	v17 =	vadd.s32 $0x400, v6;
	v2 =	vld.idx.msk [tilespmem:v2+s4+$0x0], $0xffff  }
0x24c: {  	v18 =	vadd.s32 $0x800, v6;
	[tilespmem:s26+$0x470] =	vst v4;
	v7 =	vld.idx.msk [tilespmem:v15+s4+$0x0], $0xffff  }
0x24d: {  	[tilespmem:s26+$0x3470] =	vst v3;
	v19 =	vld.idx.msk [tilespmem:v16+s4+$0x0], $0xffff  }
0x24e: {  	[tilespmem:s26+$0x6470] =	vst v5;
	v20 =	vld.idx.msk [tilespmem:v6+s4+$0x0], $0xffff  }
0x24f: {  	v5 =	vld [tilespmem:s28+$0x800]  }
0x250: {  	v21 =	vld.idx.msk [tilespmem:v17+s4+$0x0], $0xffff;
	[tilespmem:s29+$0x470] =	vst v2  }
0x251: {  	v22 =	vld.idx.msk [tilespmem:v18+s4+$0x0], $0xffff;
	[tilespmem:s29+$0x3470] =	vst v7  }
0x252: {  	[tilespmem:s29+$0x6470] =	vst v19  }
0x253: {  	v23 =	vld [tilespmem:s30+$0x800]  }
0x254: {  	[tilespmem:s24+$0x800] =	vst v20;
	v24 =	vadd.s32 $0x400, v5  }
0x255: {  	v25 =	vadd.s32 $0x800, v5;
	[tilespmem:s24+$0x3800] =	vst v21  }
0x256: {  	[tilespmem:s24+$0x6800] =	vst v22  }
0x257: {  	v27 =	vld [tilespmem:s25+$0x810]  }
0x258: {  	v5 =	vld.idx.msk [tilespmem:v5+s4+$0x0], $0xffff;
	v28 =	vadd.s32 $0x400, v23  }
0x259: {  	[tilespmem:s22+$0x6830] =	vst v0;
	v0 =	vld.idx.msk [tilespmem:v24+s4+$0x0], $0xffff;
	v29 =	vadd.s32 $0x800, v23  }
0x25a: {  	[tilespmem:s22+$0x3830] =	vst v1;
	v2 =	vld.idx.msk [tilespmem:v25+s4+$0x0], $0xffff  }
0x25b: {  	v26 =	vld [tilespmem:s23+$0x840]  }
0x25c: {  	v30 =	vadd.s32 $0x400, v27;
	v1 =	vld.idx.msk [tilespmem:v23+s4+$0x0], $0xffff  }
0x25d: {  	v31 =	vadd.s32 $0x800, v27;
	[tilespmem:s26+$0x800] =	vst v5;
	v6 =	vld.idx.msk [tilespmem:v28+s4+$0x0], $0xffff  }
0x25e: {  	[tilespmem:s26+$0x3800] =	vst v0;
	v32 =	vld.idx.msk [tilespmem:v29+s4+$0x0], $0xffff  }
0x25f: {  	[tilespmem:s26+$0x6800] =	vst v2;
	v33 =	vld.idx.msk [tilespmem:v27+s4+$0x0], $0xffff  }
0x260: {  	v2 =	vld [tilespmem:s28+$0x810]  }
0x261: {  	v35 =	vld.idx.msk [tilespmem:v30+s4+$0x0], $0xffff;
	[tilespmem:s29+$0x800] =	vst v1  }
0x262: {  	v34 =	vadd.s32 $0x400, v26;
	v37 =	vld.idx.msk [tilespmem:v31+s4+$0x0], $0xffff;
	[tilespmem:s29+$0x3800] =	vst v6  }
0x263: {  	[tilespmem:s29+$0x6800] =	vst v32  }
0x264: {  	v5 =	vld [tilespmem:s30+$0x810]  }
0x265: {  	[tilespmem:s24+$0x810] =	vst v33;
	v38 =	vadd.s32 $0x400, v2  }
0x266: {  	v3 =	vld.idx.msk [tilespmem:v26+s4+$0x0], $0xffff;
	v39 =	vadd.s32 $0x800, v2;
	[tilespmem:s24+$0x3810] =	vst v35  }
0x267: {  	v36 =	vadd.s32 $0x800, v26;
	[tilespmem:s24+$0x6810] =	vst v37;
	v1 =	vld.idx.msk [tilespmem:v34+s4+$0x0], $0xffff  }
0x268: {  	v7 =	vld [tilespmem:s25+$0x820]  }
0x269: {  	v2 =	vld.idx.msk [tilespmem:v2+s4+$0x0], $0xffff;
	v40 =	vadd.s32 $0x400, v5  }
0x26a: {  	v0 =	vld.idx.msk [tilespmem:v38+s4+$0x0], $0xffff;
	v41 =	vadd.s32 $0x800, v5  }
0x26b: {  	v4 =	vld.idx.msk [tilespmem:v39+s4+$0x0], $0xffff  }
0x26c: {  	v6 =	vld.idx.msk [tilespmem:v36+s4+$0x0], $0xffff  }
0x26d: {  	v42 =	vadd.s32 $0x400, v7;
	v5 =	vld.idx.msk [tilespmem:v5+s4+$0x0], $0xffff  }
0x26e: {  	v43 =	vadd.s32 $0x800, v7;
	[tilespmem:s26+$0x810] =	vst v2;
	v8 =	vld.idx.msk [tilespmem:v40+s4+$0x0], $0xffff  }
0x26f: {  	[tilespmem:s26+$0x3810] =	vst v0;
	v44 =	vld.idx.msk [tilespmem:v41+s4+$0x0], $0xffff  }
0x270: {  	[tilespmem:s26+$0x6810] =	vst v4;
	v45 =	vld.idx.msk [tilespmem:v7+s4+$0x0], $0xffff  }
0x271: {  	[tilespmem:s22+$0x840] =	vst v3;
	v4 =	vld [tilespmem:s28+$0x820]  }
0x272: {  	v3 =	vld.idx.msk [tilespmem:v42+s4+$0x0], $0xffff;
	[tilespmem:s29+$0x810] =	vst v5  }
0x273: {  	v46 =	vld.idx.msk [tilespmem:v43+s4+$0x0], $0xffff;
	[tilespmem:s29+$0x3810] =	vst v8  }
0x274: {  	[tilespmem:s29+$0x6810] =	vst v44  }
0x275: {  	v47 =	vld [tilespmem:s30+$0x820]  }
0x276: {  	[tilespmem:s24+$0x820] =	vst v45;
	v48 =	vadd.s32 $0x400, v4  }
0x277: {  	v49 =	vadd.s32 $0x800, v4;
	[tilespmem:s24+$0x3820] =	vst v3  }
0x278: {  	[tilespmem:s24+$0x6820] =	vst v46  }
0x279: {  	v5 =	vld [tilespmem:s25+$0x830]  }
0x27a: {  	v4 =	vld.idx.msk [tilespmem:v4+s4+$0x0], $0xffff;
	v51 =	vadd.s32 $0x400, v47  }
0x27b: {  	[tilespmem:s22+$0x3840] =	vst v1;
	v0 =	vld.idx.msk [tilespmem:v48+s4+$0x0], $0xffff;
	v52 =	vadd.s32 $0x800, v47  }
0x27c: {  	[tilespmem:s22+$0x6840] =	vst v6;
	v2 =	vld.idx.msk [tilespmem:v49+s4+$0x0], $0xffff  }
0x27d: {  	v50 =	vld [tilespmem:s23+$0x850]  }
0x27e: {  	v53 =	vadd.s32 $0x400, v5;
	v1 =	vld.idx.msk [tilespmem:v47+s4+$0x0], $0xffff  }
0x27f: {  	v54 =	vadd.s32 $0x800, v5;
	[tilespmem:s26+$0x820] =	vst v4;
	v6 =	vld.idx.msk [tilespmem:v51+s4+$0x0], $0xffff  }
0x280: {  	[tilespmem:s26+$0x3820] =	vst v0;
	v55 =	vld.idx.msk [tilespmem:v52+s4+$0x0], $0xffff  }
0x281: {  	[tilespmem:s26+$0x6820] =	vst v2;
	v56 =	vld.idx.msk [tilespmem:v5+s4+$0x0], $0xffff  }
0x282: {  	v2 =	vld [tilespmem:s28+$0x830]  }
0x283: {  	v58 =	vld.idx.msk [tilespmem:v53+s4+$0x0], $0xffff;
	[tilespmem:s29+$0x820] =	vst v1  }
0x284: {  	v57 =	vadd.s32 $0x400, v50;
	v60 =	vld.idx.msk [tilespmem:v54+s4+$0x0], $0xffff;
	[tilespmem:s29+$0x3820] =	vst v6  }
0x285: {  	[tilespmem:s29+$0x6820] =	vst v55  }
0x286: {  	v4 =	vld [tilespmem:s30+$0x830]  }
0x287: {  	[tilespmem:s24+$0x830] =	vst v56;
	v61 =	vadd.s32 $0x400, v2  }
0x288: {  	v3 =	vld.idx.msk [tilespmem:v50+s4+$0x0], $0xffff;
	v62 =	vadd.s32 $0x800, v2;
	[tilespmem:s24+$0x3830] =	vst v58  }
0x289: {  	v59 =	vadd.s32 $0x800, v50;
	[tilespmem:s24+$0x6830] =	vst v60;
	v1 =	vld.idx.msk [tilespmem:v57+s4+$0x0], $0xffff  }
0x28a: {  	v7 =	vld [tilespmem:s25+$0x840]  }
0x28b: {  	v2 =	vld.idx.msk [tilespmem:v2+s4+$0x0], $0xffff;
	v63 =	vadd.s32 $0x400, v4  }
0x28c: {  	v0 =	vld.idx.msk [tilespmem:v61+s4+$0x0], $0xffff;
	v12 =	vadd.s32 $0x800, v4  }
0x28d: {  	v5 =	vld.idx.msk [tilespmem:v62+s4+$0x0], $0xffff  }
0x28e: {  	v6 =	vld.idx.msk [tilespmem:v59+s4+$0x0], $0xffff  }
0x28f: {  	v13 =	vadd.s32 $0x400, v7;
	v4 =	vld.idx.msk [tilespmem:v4+s4+$0x0], $0xffff  }
0x290: {  	v14 =	vadd.s32 $0x800, v7;
	[tilespmem:s26+$0x830] =	vst v2;
	v8 =	vld.idx.msk [tilespmem:v63+s4+$0x0], $0xffff  }
0x291: {  	[tilespmem:s26+$0x3830] =	vst v0;
	v15 =	vld.idx.msk [tilespmem:v12+s4+$0x0], $0xffff  }
0x292: {  	[tilespmem:s26+$0x6830] =	vst v5;
	v16 =	vld.idx.msk [tilespmem:v7+s4+$0x0], $0xffff  }
0x293: {  	[tilespmem:s22+$0x850] =	vst v3;
	v5 =	vld [tilespmem:s28+$0x840]  }
0x294: {  	v3 =	vld.idx.msk [tilespmem:v13+s4+$0x0], $0xffff;
	[tilespmem:s29+$0x830] =	vst v4  }
0x295: {  	v17 =	vld.idx.msk [tilespmem:v14+s4+$0x0], $0xffff;
	[tilespmem:s29+$0x3830] =	vst v8  }
0x296: {  	[tilespmem:s29+$0x6830] =	vst v15  }
0x297: {  	v18 =	vld [tilespmem:s30+$0x840]  }
0x298: {  	[tilespmem:s24+$0x840] =	vst v16;
	v19 =	vadd.s32 $0x400, v5  }
0x299: {  	v20 =	vadd.s32 $0x800, v5;
	[tilespmem:s24+$0x3840] =	vst v3  }
0x29a: {  	[tilespmem:s24+$0x6840] =	vst v17  }
0x29b: {  	v4 =	vld [tilespmem:s25+$0x850]  }
0x29c: {  	v5 =	vld.idx.msk [tilespmem:v5+s4+$0x0], $0xffff;
	v22 =	vadd.s32 $0x400, v18  }
0x29d: {  	[tilespmem:s22+$0x3850] =	vst v1;
	v0 =	vld.idx.msk [tilespmem:v19+s4+$0x0], $0xffff;
	v23 =	vadd.s32 $0x800, v18  }
0x29e: {  	[tilespmem:s22+$0x6850] =	vst v6;
	v2 =	vld.idx.msk [tilespmem:v20+s4+$0x0], $0xffff  }
0x29f: {  	v21 =	vld [tilespmem:s23+$0x860]  }
0x2a0: {  	v24 =	vadd.s32 $0x400, v4;
	v1 =	vld.idx.msk [tilespmem:v18+s4+$0x0], $0xffff  }
0x2a1: {  	v25 =	vadd.s32 $0x800, v4;
	[tilespmem:s26+$0x840] =	vst v5;
	v6 =	vld.idx.msk [tilespmem:v22+s4+$0x0], $0xffff  }
0x2a2: {  	[tilespmem:s26+$0x3840] =	vst v0;
	v26 =	vld.idx.msk [tilespmem:v23+s4+$0x0], $0xffff  }
0x2a3: {  	[tilespmem:s26+$0x6840] =	vst v2;
	v27 =	vld.idx.msk [tilespmem:v4+s4+$0x0], $0xffff  }
0x2a4: {  	v2 =	vld [tilespmem:s28+$0x850]  }
0x2a5: {  	v29 =	vld.idx.msk [tilespmem:v24+s4+$0x0], $0xffff;
	[tilespmem:s29+$0x840] =	vst v1  }
0x2a6: {  	v28 =	vadd.s32 $0x400, v21;
	v31 =	vld.idx.msk [tilespmem:v25+s4+$0x0], $0xffff;
	[tilespmem:s29+$0x3840] =	vst v6  }
0x2a7: {  	[tilespmem:s29+$0x6840] =	vst v26  }
0x2a8: {  	v5 =	vld [tilespmem:s30+$0x850]  }
0x2a9: {  	v30 =	vadd.s32 $0x800, v21;
	[tilespmem:s24+$0x850] =	vst v27  }
0x2aa: {  	v3 =	vld.idx.msk [tilespmem:v21+s4+$0x0], $0xffff;
	v32 =	vadd.s32 $0x400, v2;
	[tilespmem:s24+$0x3850] =	vst v29  }
0x2ab: {  	v33 =	vadd.s32 $0x800, v2;
	[tilespmem:s24+$0x6850] =	vst v31;
	v1 =	vld.idx.msk [tilespmem:v28+s4+$0x0], $0xffff  }
0x2ac: {  	v7 =	vld [tilespmem:s25+$0x860]  }
0x2ad: {  	v2 =	vld.idx.msk [tilespmem:v2+s4+$0x0], $0xffff;
	v34 =	vadd.s32 $0x400, v5  }
0x2ae: {  	v6 =	vld.idx.msk [tilespmem:v30+s4+$0x0], $0xffff;
	v35 =	vadd.s32 $0x800, v5  }
0x2af: {  	v0 =	vld.idx.msk [tilespmem:v32+s4+$0x0], $0xffff  }
0x2b0: {  	v4 =	vld.idx.msk [tilespmem:v33+s4+$0x0], $0xffff  }
0x2b1: {  	v5 =	vld.idx.msk [tilespmem:v5+s4+$0x0], $0xffff  }
0x2b2: {  	[tilespmem:s22+$0x860] =	vst v3;
	v36 =	vadd.s32 $0x400, v7;
	v8 =	vld.idx.msk [tilespmem:v34+s4+$0x0], $0xffff  }
0x2b3: {  	v37 =	vadd.s32 $0x800, v7;
	[tilespmem:s26+$0x850] =	vst v2;
	v38 =	vld.idx.msk [tilespmem:v35+s4+$0x0], $0xffff  }
0x2b4: {  	[tilespmem:s26+$0x3850] =	vst v0  }
0x2b5: {  	[tilespmem:s26+$0x6850] =	vst v4;
	v39 =	vld.idx.msk [tilespmem:v7+s4+$0x0], $0xffff  }
0x2b6: {  	v4 =	vld [tilespmem:s28+$0x860];
	[tilespmem:s29+$0x850] =	vst v5  }
0x2b7: {  	v3 =	vld.idx.msk [tilespmem:v36+s4+$0x0], $0xffff;
	[tilespmem:s29+$0x3850] =	vst v8  }
0x2b8: {  	v40 =	vld.idx.msk [tilespmem:v37+s4+$0x0], $0xffff;
	[tilespmem:s29+$0x6850] =	vst v38  }
0x2b9: {  	[tilespmem:s22+$0x3860] =	vst v1;
	v41 =	vld [tilespmem:s30+$0x860]  }
0x2ba: {  	[tilespmem:s22+$0x6860] =	vst v6  }
0x2bb: {  	[tilespmem:s24+$0x860] =	vst v39;
	v42 =	vadd.s32 $0x400, v4  }
0x2bc: {  	v43 =	vadd.s32 $0x800, v4;
	[tilespmem:s24+$0x3860] =	vst v3  }
0x2bd: {  	v44 =	vld [tilespmem:s23+$0x870];
	[tilespmem:s24+$0x6860] =	vst v40  }
0x2be: {  	v5 =	vld [tilespmem:s25+$0x870];
	v45 =	vadd.s32 $0x400, v41  }
0x2bf: {  	v4 =	vld.idx.msk [tilespmem:v4+s4+$0x0], $0xffff;
	v46 =	vadd.s32 $0x800, v41  }
0x2c0: {  	v0 =	vld.idx.msk [tilespmem:v42+s4+$0x0], $0xffff  }
0x2c1: {  	v2 =	vld.idx.msk [tilespmem:v43+s4+$0x0], $0xffff  }
0x2c2: {  	v1 =	vld.idx.msk [tilespmem:v41+s4+$0x0], $0xffff  }
0x2c3: {  	v6 =	vld.idx.msk [tilespmem:v45+s4+$0x0], $0xffff  }
0x2c4: {  	[tilespmem:s26+$0x860] =	vst v4;
	v47 =	vld.idx.msk [tilespmem:v46+s4+$0x0], $0xffff  }
0x2c5: {  	[tilespmem:s26+$0x3860] =	vst v0  }
0x2c6: {  	v48 =	vadd.s32 $0x800, v44;
	[tilespmem:s26+$0x6860] =	vst v2  }
0x2c7: {  	v49 =	vadd.s32 $0x400, v44;
	v50 =	vld [tilespmem:s28+$0x870];
	[tilespmem:s29+$0x860] =	vst v1  }
0x2c8: {  	v52 =	vadd.s32 $0x400, v5;
	[tilespmem:s29+$0x3860] =	vst v6  }
0x2c9: {  	v3 =	vld.idx.msk [tilespmem:v44+s4+$0x0], $0xffff;
	[tilespmem:s29+$0x6860] =	vst v47  }
0x2ca: {  	v51 =	vadd.s32 $0x800, v5;
	v6 =	vld [tilespmem:s30+$0x870]  }
0x2cb: {  	v0 =	vld.idx.msk [tilespmem:v48+s4+$0x0], $0xffff  }
0x2cc: {  	v2 =	vld.idx.msk [tilespmem:v49+s4+$0x0], $0xffff;
	v53 =	vadd.s32 $0x800, v50  }
0x2cd: {  	v4 =	vld.idx.msk [tilespmem:v52+s4+$0x0], $0xffff;
	v54 =	vadd.s32 $0x400, v50  }
0x2ce: {  	v56 =	vld.idx.msk [tilespmem:v5+s4+$0x0], $0xffff  }
0x2cf: {  	[tilespmem:s22+$0x870] =	vst v3;
	v1 =	vld.idx.msk [tilespmem:v51+s4+$0x0], $0xffff;
	v55 =	vadd.s32 $0x800, v6  }
0x2d0: {  	[tilespmem:s22+$0x6870] =	vst v0;
	v60 =	vld.idx.msk [tilespmem:v50+s4+$0x0], $0xffff;
	v57 =	vadd.s32 $0x400, v6  }
0x2d1: {  	[tilespmem:s22+$0x3870] =	vst v2;
	v58 =	vld.idx.msk [tilespmem:v53+s4+$0x0], $0xffff  }
0x2d2: {  	[tilespmem:s24+$0x3870] =	vst v4;
	v59 =	vld.idx.msk [tilespmem:v54+s4+$0x0], $0xffff  }
0x2d3: {  	[tilespmem:s24+$0x870] =	vst v56;
	v63 =	vld.idx.msk [tilespmem:v6+s4+$0x0], $0xffff  }
0x2d4: {  	[tilespmem:s24+$0x6870] =	vst v1;
	v61 =	vld.idx.msk [tilespmem:v55+s4+$0x0], $0xffff  }
0x2d5: {  	s0 =	smul.u32 $0xD80000, s17;
	[tilespmem:s26+$0x870] =	vst v60;
	v62 =	vld.idx.msk [tilespmem:v57+s4+$0x0], $0xffff  }
0x2d6: {  	s1 =	smul.u32 $0x3000, s16;
	p0 =	sne.s32 s31, $0x30;
	[tilespmem:s26+$0x6870] =	vst v58  }
.Ltmp1:
0x2d7: {  	s0 =	sadd.s32 s7, s0;
	[tilespmem:s26+$0x3870] =	vst v59;
	(pc) =	sbr.rel @p0 .LBB2_2-.Ltmp1, $4  }
0x2d8: {  	s0 =	sadd.s32 s1, s0;
	[tilespmem:s29+$0x870] =	vst v63  }
0x2d9: {  	s16 =	smov.u32 s18;
	s17 =	smov.u32 s19;
	s0 =	sshrl.u32 s0, $0x3;
	[tilespmem:s29+$0x6870] =	vst v61  }
0x2da: {  	s0 =	sadd.s32 s3, s0;
	s30 =	sadd.s32 $0x3, s15;
	s15 =	smov.u32 s20;
	[tilespmem:s29+$0x3870] =	vst v62  }
0x2db: {  	[hbm4b:s0+s10] =	stream.strided.scatter [tilespmem:s21], [sflag:s30], $0x9000, s11, s10, $0x38;
	[tilespmem:$0x18C00] =	vst v63  }
0x2dc: {  	s0 =	simm.s32 $0x3  }
0x2dd: {  	_ =	swait.ge [sflag:s0], $0x9000  }
0x2de: {  	[sflag:s0] =	ssyncset.done $0x0  }
0x2df: {  	s1 =	simm.s32 $0x4;
	[sflag:s0] =	ssyncadd.s32 $0xFFFF7000  }
0x2e0: {  	_ =	swait.ge [sflag:s1], $0x9000  }
0x2e1: {  	s14 =	sadd.s32 $0x1, s14;
	s31 =	rddreg [dreg:$0x4]  }
0x2e2: {  	p0 =	sne.s32 s14, s31  }
.Ltmp2:
0x2e3: {  	_ = 	snop;
	(pc) =	sbr.rel @p0 .LBB2_1-.Ltmp2, $3  }
0x2e4: {  	_ =	sdelay $0x1  }
0x2e5: {  	[sflag:s1] =	ssyncset.done $0x0  }
0x2e6: {  	[sflag:s1] =	ssyncadd.s32 $0xFFFF7000  }
0x2e7: {  	_ =	sfence.sel $0x180000  }
0x2e8: {  	[bflag:$0x0] =	sbarrier.arrive $0xFFFF  }
0x2e9: {  	_ =	strace $0x90000047  }
0x2ea: {  	s0 =	stileid.u32;
	[bflag:$0x2] =	sbarrier.arrive $0xFFFF  }
0x2eb: {  	p0 =	sne.s32 s0, $0x0;
	s0 =	rddreg [dreg:$0x3]  }
0x2ec: {  	s0 =	sadd.s32 @!p0 $0x100000, s0  }
0x2ed: {  	[sflag:s0] =	ssyncadd.tile.s32 @!p0 $0x1;
	_ =	shalt  }
.Lfunc_end2:
_tile_overlayer_lowered:
.L_overlay_start_2:
0x2ee: {  	(tag) =	ssettag $0x2  }
0x2ef: {  	s0 =	rddreg [dreg:$0x0];
	s2 =	stileid.u32  }
0x2f0: {  	s1 =	rddreg [dreg:$0x1];
	p0 =	sne.s32 s2, $0x0  }
0x2f1: {  	s3 =	rddreg [dreg:$0x2];
	[bflag:$0x3] =	sbarrier.arrive $0xFFFF;
	s2 =	simm.s32 @!p0 $0x1C05  }
0x2f2: {  	[timem:s3], [sflag:s2] =	dma.local @!p0 [hbm:s0], s1  }
0x2f3: {  	s0 =	simm.s32 @!p0 $0x5  }
0x2f4: {  	_ =	swait.ge @!p0 [sflag:s0], s1  }
0x2f5: {  	s1 =	ssub.s32 @!p0 $0x0, s1;
	[sflag:s0] =	ssyncset.done @!p0 $0x0  }
0x2f6: {  	[sflag:s0] =	ssyncadd.s32 @!p0 s1  }
0x2f7: {  	[bflag:$0x3] =	sbarrier.arrive $0xFFFF  }
0x2f8: {  	_ =	shalt  }

</sc_bundles>
